<compile_context>
chip_gen: v7x
topology: tpu7x:2x2x1
jax: 0.10.2.dev20260603
libtpu: 0.0.44.dev20260713+nightly
codegen_flags: <defaults>
</compile_context>

<pallas_src>
import functools

import jax
import jax.numpy as jnp
from jax import lax
from jax.experimental import pallas as pl
from jax.experimental.pallas import tpu as pltpu
from jax.experimental.pallas import tpu_sc as plsc

L = 16
NW = 32


def _make_sc_kernel(B, V, HW, BB, NPS, P):
    VP3 = ((V * 3 + 7) // 8) * 8
    SHARD = HW // NPS
    NCHUNK = SHARD // P
    P3 = P * 3
    HW3 = HW * 3
    mesh = plsc.VectorSubcoreMesh(core_axis_name="c", subcore_axis_name="s")

    @functools.partial(
        pl.kernel,
        mesh=mesh,
        out_type=jax.ShapeDtypeStruct((B * HW3,), jnp.float32),
        compiler_params=pltpu.CompilerParams(needs_layout_passes=False),
        scratch_types=[
            pltpu.VMEM((BB * VP3,), jnp.float32),
            pltpu.VMEM((P,), jnp.int32),
            pltpu.VMEM((P,), jnp.int32),
            pltpu.VMEM((P,), jnp.int32),
            pltpu.VMEM((P,), jnp.float32),
            pltpu.VMEM((P,), jnp.float32),
            pltpu.VMEM((P,), jnp.float32),
            pltpu.VMEM((BB * P3,), jnp.float32),
        ],
    )
    def k(verts_hbm, idx_hbm, bw_hbm, out_hbm,
          verts_v, i0_v, i1_v, i2_v, w0_v, w1_v, w2_v, out_v):
        cid = lax.axis_index("c")
        sid = lax.axis_index("s")
        wid = sid * 2 + cid
        bg = wid // NPS
        ps = lax.rem(wid, NPS)
        b0 = bg * BB
        pix0 = ps * SHARD

        pltpu.sync_copy(verts_hbm.at[pl.ds(b0 * VP3, BB * VP3)], verts_v)

        iota = lax.iota(jnp.int32, L)
        iota3 = iota * 3

        def chunk_body(kc, carry):
            base = pix0 + kc * P
            pltpu.sync_copy(idx_hbm.at[pl.ds(base, P)], i0_v)
            pltpu.sync_copy(idx_hbm.at[pl.ds(HW + base, P)], i1_v)
            pltpu.sync_copy(idx_hbm.at[pl.ds(2 * HW + base, P)], i2_v)
            pltpu.sync_copy(bw_hbm.at[pl.ds(base, P)], w0_v)
            pltpu.sync_copy(bw_hbm.at[pl.ds(HW + base, P)], w1_v)
            pltpu.sync_copy(bw_hbm.at[pl.ds(2 * HW + base, P)], w2_v)

            def grp(i, carry2):
                s = pl.ds(i * L, L)
                accs = [[None] * 3 for _ in range(BB)]
                for c, (iv, wv) in enumerate(
                        ((i0_v, w0_v), (i1_v, w1_v), (i2_v, w2_v))):
                    ic = iv[s]
                    ic = jnp.where(ic == 149921, 0, ic)
                    wc = wv[s]
                    wbase = ic * 3
                    for b in range(BB):
                        for dd in range(3):
                            g = plsc.load_gather(
                                verts_v, [wbase + (b * VP3 + dd)])
                            t = wc * g
                            accs[b][dd] = (t if accs[b][dd] is None
                                           else accs[b][dd] + t)
                opos = iota3 + i * (3 * L)
                for b in range(BB):
                    for dd in range(3):
                        plsc.store_scatter(
                            out_v, [opos + (b * P3 + dd)], accs[b][dd])
                return carry2

            lax.fori_loop(0, P // L, grp, 0, unroll=2)
            for b in range(BB):
                pltpu.sync_copy(
                    out_v.at[pl.ds(b * P3, P3)],
                    out_hbm.at[pl.ds((b0 + b) * HW3 + base * 3, P3)])
            return carry

        lax.fori_loop(0, NCHUNK, chunk_body, 0)

    return k


@jax.jit
def kernel(verts, v_index, bary_weights):
    if verts.ndim == 2:
        verts = verts[None]
    B, V, _ = verts.shape
    H, W, _ = v_index.shape
    HW = H * W

    BB = None
    for bb in (2, 1, 4, 8):
        if B % bb == 0 and NW % (B // bb) == 0:
            BB = bb
            break
    assert BB is not None, f"unsupported batch size {B}"
    NPS = NW // (B // BB)
    P = 2048
    while (HW // NPS) % P != 0:
        P //= 2

    VP3 = ((V * 3 + 7) // 8) * 8
    verts_flat = verts.reshape(B, V * 3)
    verts_p = jnp.pad(verts_flat, ((0, 0), (0, VP3 - V * 3))).reshape(-1)
    idx_t = v_index.reshape(HW, 3).T.reshape(-1)
    bw_t = bary_weights.reshape(HW, 3).T.reshape(-1)

    out = _make_sc_kernel(B, V, HW, BB, NPS, P)(verts_p, idx_t, bw_t)
    return out.reshape(B, H, W, 3)

# --- scband reference (transcript-rebuilt; emitter-appended) ---
"""Pipeline reference for scband-flame-uv-generator-71725953843513 (READ-ONLY COPY).

The authoritative reference and input builder live on the scoring server;
editing this copy changes nothing except your own understanding.
"""

import jax, jax.numpy as jnp
import numpy as np

B = 8
V = 5023
H = 512
W = 512


def setup_inputs(seed: int = 0) -> dict:
    key = jax.random.key(seed)
    k1, k2, k3 = jax.random.split(key, 3)
    verts = jax.random.normal(k1, (B, V, 3), dtype=jnp.float32)
    # per-UV-pixel triangle vertex indices into the FLAME mesh (buffer loaded from npz in torch)
    v_index = jax.random.randint(k2, (H, W, 3), 0, V, dtype=jnp.int32)
    # barycentric weights per UV pixel, normalized to sum to 1 over the 3 triangle corners
    bary_weights = jax.random.uniform(k3, (H, W, 3), dtype=jnp.float32)
    bary_weights = bary_weights / jnp.sum(bary_weights, axis=-1, keepdims=True)
    return {"verts": verts, "v_index": v_index, "bary_weights": bary_weights}


def reference(verts, v_index, bary_weights):
    # forward == get_UV_map(verts)
    v_index = jnp.where(v_index == 149921, 0, v_index)
    if verts.ndim == 2:
        verts = verts[None]
    # gather: [B, H, W, 3(corners), 3(xyz)]
    im = verts[:, v_index, :]
    # bary weights: [H, W, 1, 3] -> broadcast matmul -> [B, H, W, 1, 3]
    bw = bary_weights[:, :, None, :]
    im = jnp.matmul(bw, im)
    return jnp.squeeze(im, axis=3)  # [B, H, W, 3]

if __name__ == "__main__":
    import jax
    _d = setup_inputs()
    print(jax.jit(kernel)(*tuple(_d.values())))

</pallas_src>

<mosaic_0001>
#map = affine_map<(d0, d1) -> (0)>
module attributes {stable_mosaic.version = 14 : i64} {
  func.func @k(%arg0: i32, %arg1: i32, %arg2: memref<120576xf32, #tpu.memory_space<hbm>>, %arg3: memref<786432xi32, #tpu.memory_space<hbm>>, %arg4: memref<786432xf32, #tpu.memory_space<hbm>>, %arg5: memref<6291456xf32, #tpu.memory_space<hbm>>, %arg6: memref<30144xf32, #tpu.memory_space<vmem>>, %arg7: memref<2048xi32, #tpu.memory_space<vmem>>, %arg8: memref<2048xi32, #tpu.memory_space<vmem>>, %arg9: memref<2048xi32, #tpu.memory_space<vmem>>, %arg10: memref<2048xf32, #tpu.memory_space<vmem>>, %arg11: memref<2048xf32, #tpu.memory_space<vmem>>, %arg12: memref<2048xf32, #tpu.memory_space<vmem>>, %arg13: memref<12288xf32, #tpu.memory_space<vmem>>) attributes {dimension_semantics = [#tpu.dimension_semantics<core_parallel>, #tpu.dimension_semantics<subcore_parallel>], iteration_bounds = array<i64: 2, 16>, scalar_prefetch = 0 : i64, scratch_operands = 8 : i64, tpu.core_type = #tpu.core_type<sc_vector_subcore>, window_params = [{transform_indices = #map}, {transform_indices = #map}, {transform_indices = #map}, {transform_indices = #map}]} {
    %mul3A = arith.constant 2 : i32
    %mul3A_0 = arith.muli %arg1, %mul3A : i32
    %add3A = arith.addi %mul3A_0, %arg0 : i32
    %jit3A = arith.constant 8 : i32
    %div3A = arith.divsi %add3A, %jit3A : i32
    %sign3A = arith.constant 0 : i32
    %sign3A_1 = arith.cmpi sgt, %add3A, %sign3A : i32
    %sign3A_2 = arith.extui %sign3A_1 : i1 to i32
    %sign3A_3 = arith.constant 0 : i32
    %sign3A_4 = arith.cmpi slt, %add3A, %sign3A_3 : i32
    %sign3A_5 = arith.extui %sign3A_4 : i1 to i32
    %sign3A_6 = arith.subi %sign3A_2, %sign3A_5 : i32
    %sign3A_7 = arith.constant 0 : i32
    %sign3A_8 = arith.cmpi sgt, %jit3A, %sign3A_7 : i32
    %sign3A_9 = arith.extui %sign3A_8 : i1 to i32
    %sign3A_10 = arith.constant 0 : i32
    %sign3A_11 = arith.cmpi slt, %jit3A, %sign3A_10 : i32
    %sign3A_12 = arith.extui %sign3A_11 : i1 to i32
    %sign3A_13 = arith.subi %sign3A_9, %sign3A_12 : i32
    %ne3A = arith.cmpi ne, %sign3A_6, %sign3A_13 : i32
    %rem3A = arith.remsi %add3A, %jit3A : i32
    %ne3A_14 = arith.constant 0 : i32
    %ne3A_15 = arith.cmpi ne, %rem3A, %ne3A_14 : i32
    %and3A = arith.andi %ne3A, %ne3A_15 : i1
    %sub3A = arith.constant 1 : i32
    %sub3A_16 = arith.subi %div3A, %sub3A : i32
    %select_n3A = arith.select %and3A, %sub3A_16, %div3A : i32
    %rem3A_17 = arith.constant 8 : i32
    %rem3A_18 = arith.remsi %add3A, %rem3A_17 : i32
    %mul3A_19 = arith.constant 2 : i32
    %mul3A_20 = arith.muli %select_n3A, %mul3A_19 : i32
    %mul3A_21 = arith.constant 32768 : i32
    %mul3A_22 = arith.muli %rem3A_18, %mul3A_21 : i32
    %mul3A_23 = arith.constant 15072 : i32
    %mul3A_24 = arith.muli %mul3A_20, %mul3A_23 : i32
    "tpu.region"() ({
      %run_scoped3A = tpu.sem_alloc : memref<!tpu.dma_semaphore, #tpu.memory_space<semaphore_mem>>
      %dma_start3A = tpu.memref_slice %arg2[%mul3A_24] : memref<120576xf32, #tpu.memory_space<hbm>> -> memref<30144xf32, #tpu.memory_space<hbm>>
      %dma_start3A_33 = tpu.memref_slice %arg2[%mul3A_24] : memref<120576xf32, #tpu.memory_space<hbm>> -> memref<30144xf32, #tpu.memory_space<hbm>>
      tpu.enqueue_dma source(%dma_start3A_33 : memref<30144xf32, #tpu.memory_space<hbm>>) target(%arg6 : memref<30144xf32, #tpu.memory_space<vmem>>) target_semaphore(%run_scoped3A : memref<!tpu.dma_semaphore, #tpu.memory_space<semaphore_mem>>)
      %dma_wait3A = tpu.memref_slice %arg2[%mul3A_24] : memref<120576xf32, #tpu.memory_space<hbm>> -> memref<30144xf32, #tpu.memory_space<hbm>>
      %dma_wait3A_34 = tpu.memref_slice %arg2[%mul3A_24] : memref<120576xf32, #tpu.memory_space<hbm>> -> memref<30144xf32, #tpu.memory_space<hbm>>
      tpu.wait_dma2 semaphore(%run_scoped3A : memref<!tpu.dma_semaphore, #tpu.memory_space<semaphore_mem>>) src(%dma_wait3A_34 : memref<30144xf32, #tpu.memory_space<hbm>>) dst(%arg6 : memref<30144xf32, #tpu.memory_space<vmem>>)
      tpu.yield
    }) : () -> ()
    %iota3A = tpu.iota {dimensions = array<i32: 0>} : vector<16xi32>
    %mul3A_25 = arith.constant 3 : i32
    %mul3A_26 = vector.broadcast %mul3A_25 : i32 to vector<16xi32>
    %mul3A_27 = arith.muli %iota3A, %mul3A_26 : vector<16xi32>
    %scan3A = arith.constant 0 : i32
    %scan3A_28 = arith.constant 0 : i32
    %scan3A_29 = arith.constant 16 : i32
    %scan3A_30 = arith.addi %scan3A_28, %scan3A_29 : i32
    %scan3A_31 = arith.constant 1 : i32
    scf.for %scan3A_33 = %scan3A_28 to %scan3A_30 step %scan3A_31  : i32 {
      %mul3A_34 = arith.constant 2048 : i32
      %mul3A_35 = arith.muli %scan3A_33, %mul3A_34 : i32
      %add3A_36 = arith.addi %mul3A_22, %mul3A_35 : i32
      "tpu.region"() ({
        %run_scoped3A = tpu.sem_alloc : memref<!tpu.dma_semaphore, #tpu.memory_space<semaphore_mem>>
        %dma_start3A = tpu.memref_slice %arg3[%add3A_36] : memref<786432xi32, #tpu.memory_space<hbm>> -> memref<2048xi32, #tpu.memory_space<hbm>>
        %dma_start3A_65 = tpu.memref_slice %arg3[%add3A_36] : memref<786432xi32, #tpu.memory_space<hbm>> -> memref<2048xi32, #tpu.memory_space<hbm>>
        tpu.enqueue_dma source(%dma_start3A_65 : memref<2048xi32, #tpu.memory_space<hbm>>) target(%arg7 : memref<2048xi32, #tpu.memory_space<vmem>>) target_semaphore(%run_scoped3A : memref<!tpu.dma_semaphore, #tpu.memory_space<semaphore_mem>>)
        %dma_wait3A = tpu.memref_slice %arg3[%add3A_36] : memref<786432xi32, #tpu.memory_space<hbm>> -> memref<2048xi32, #tpu.memory_space<hbm>>
        %dma_wait3A_66 = tpu.memref_slice %arg3[%add3A_36] : memref<786432xi32, #tpu.memory_space<hbm>> -> memref<2048xi32, #tpu.memory_space<hbm>>
        tpu.wait_dma2 semaphore(%run_scoped3A : memref<!tpu.dma_semaphore, #tpu.memory_space<semaphore_mem>>) src(%dma_wait3A_66 : memref<2048xi32, #tpu.memory_space<hbm>>) dst(%arg7 : memref<2048xi32, #tpu.memory_space<vmem>>)
        tpu.yield
      }) : () -> ()
      %add3A_37 = arith.constant 262144 : i32
      %add3A_38 = arith.addi %add3A_37, %add3A_36 : i32
      "tpu.region"() ({
        %run_scoped3A = tpu.sem_alloc : memref<!tpu.dma_semaphore, #tpu.memory_space<semaphore_mem>>
        %dma_start3A = tpu.memref_slice %arg3[%add3A_38] : memref<786432xi32, #tpu.memory_space<hbm>> -> memref<2048xi32, #tpu.memory_space<hbm>>
        %dma_start3A_65 = tpu.memref_slice %arg3[%add3A_38] : memref<786432xi32, #tpu.memory_space<hbm>> -> memref<2048xi32, #tpu.memory_space<hbm>>
        tpu.enqueue_dma source(%dma_start3A_65 : memref<2048xi32, #tpu.memory_space<hbm>>) target(%arg8 : memref<2048xi32, #tpu.memory_space<vmem>>) target_semaphore(%run_scoped3A : memref<!tpu.dma_semaphore, #tpu.memory_space<semaphore_mem>>)
        %dma_wait3A = tpu.memref_slice %arg3[%add3A_38] : memref<786432xi32, #tpu.memory_space<hbm>> -> memref<2048xi32, #tpu.memory_space<hbm>>
        %dma_wait3A_66 = tpu.memref_slice %arg3[%add3A_38] : memref<786432xi32, #tpu.memory_space<hbm>> -> memref<2048xi32, #tpu.memory_space<hbm>>
        tpu.wait_dma2 semaphore(%run_scoped3A : memref<!tpu.dma_semaphore, #tpu.memory_space<semaphore_mem>>) src(%dma_wait3A_66 : memref<2048xi32, #tpu.memory_space<hbm>>) dst(%arg8 : memref<2048xi32, #tpu.memory_space<vmem>>)
        tpu.yield
      }) : () -> ()
      %add3A_39 = arith.constant 524288 : i32
      %add3A_40 = arith.addi %add3A_39, %add3A_36 : i32
      "tpu.region"() ({
        %run_scoped3A = tpu.sem_alloc : memref<!tpu.dma_semaphore, #tpu.memory_space<semaphore_mem>>
        %dma_start3A = tpu.memref_slice %arg3[%add3A_40] : memref<786432xi32, #tpu.memory_space<hbm>> -> memref<2048xi32, #tpu.memory_space<hbm>>
        %dma_start3A_65 = tpu.memref_slice %arg3[%add3A_40] : memref<786432xi32, #tpu.memory_space<hbm>> -> memref<2048xi32, #tpu.memory_space<hbm>>
        tpu.enqueue_dma source(%dma_start3A_65 : memref<2048xi32, #tpu.memory_space<hbm>>) target(%arg9 : memref<2048xi32, #tpu.memory_space<vmem>>) target_semaphore(%run_scoped3A : memref<!tpu.dma_semaphore, #tpu.memory_space<semaphore_mem>>)
        %dma_wait3A = tpu.memref_slice %arg3[%add3A_40] : memref<786432xi32, #tpu.memory_space<hbm>> -> memref<2048xi32, #tpu.memory_space<hbm>>
        %dma_wait3A_66 = tpu.memref_slice %arg3[%add3A_40] : memref<786432xi32, #tpu.memory_space<hbm>> -> memref<2048xi32, #tpu.memory_space<hbm>>
        tpu.wait_dma2 semaphore(%run_scoped3A : memref<!tpu.dma_semaphore, #tpu.memory_space<semaphore_mem>>) src(%dma_wait3A_66 : memref<2048xi32, #tpu.memory_space<hbm>>) dst(%arg9 : memref<2048xi32, #tpu.memory_space<vmem>>)
        tpu.yield
      }) : () -> ()
      "tpu.region"() ({
        %run_scoped3A = tpu.sem_alloc : memref<!tpu.dma_semaphore, #tpu.memory_space<semaphore_mem>>
        %dma_start3A = tpu.memref_slice %arg4[%add3A_36] : memref<786432xf32, #tpu.memory_space<hbm>> -> memref<2048xf32, #tpu.memory_space<hbm>>
        %dma_start3A_65 = tpu.memref_slice %arg4[%add3A_36] : memref<786432xf32, #tpu.memory_space<hbm>> -> memref<2048xf32, #tpu.memory_space<hbm>>
        tpu.enqueue_dma source(%dma_start3A_65 : memref<2048xf32, #tpu.memory_space<hbm>>) target(%arg10 : memref<2048xf32, #tpu.memory_space<vmem>>) target_semaphore(%run_scoped3A : memref<!tpu.dma_semaphore, #tpu.memory_space<semaphore_mem>>)
        %dma_wait3A = tpu.memref_slice %arg4[%add3A_36] : memref<786432xf32, #tpu.memory_space<hbm>> -> memref<2048xf32, #tpu.memory_space<hbm>>
        %dma_wait3A_66 = tpu.memref_slice %arg4[%add3A_36] : memref<786432xf32, #tpu.memory_space<hbm>> -> memref<2048xf32, #tpu.memory_space<hbm>>
        tpu.wait_dma2 semaphore(%run_scoped3A : memref<!tpu.dma_semaphore, #tpu.memory_space<semaphore_mem>>) src(%dma_wait3A_66 : memref<2048xf32, #tpu.memory_space<hbm>>) dst(%arg10 : memref<2048xf32, #tpu.memory_space<vmem>>)
        tpu.yield
      }) : () -> ()
      %add3A_41 = arith.constant 262144 : i32
      %add3A_42 = arith.addi %add3A_41, %add3A_36 : i32
      "tpu.region"() ({
        %run_scoped3A = tpu.sem_alloc : memref<!tpu.dma_semaphore, #tpu.memory_space<semaphore_mem>>
        %dma_start3A = tpu.memref_slice %arg4[%add3A_42] : memref<786432xf32, #tpu.memory_space<hbm>> -> memref<2048xf32, #tpu.memory_space<hbm>>
        %dma_start3A_65 = tpu.memref_slice %arg4[%add3A_42] : memref<786432xf32, #tpu.memory_space<hbm>> -> memref<2048xf32, #tpu.memory_space<hbm>>
        tpu.enqueue_dma source(%dma_start3A_65 : memref<2048xf32, #tpu.memory_space<hbm>>) target(%arg11 : memref<2048xf32, #tpu.memory_space<vmem>>) target_semaphore(%run_scoped3A : memref<!tpu.dma_semaphore, #tpu.memory_space<semaphore_mem>>)
        %dma_wait3A = tpu.memref_slice %arg4[%add3A_42] : memref<786432xf32, #tpu.memory_space<hbm>> -> memref<2048xf32, #tpu.memory_space<hbm>>
        %dma_wait3A_66 = tpu.memref_slice %arg4[%add3A_42] : memref<786432xf32, #tpu.memory_space<hbm>> -> memref<2048xf32, #tpu.memory_space<hbm>>
        tpu.wait_dma2 semaphore(%run_scoped3A : memref<!tpu.dma_semaphore, #tpu.memory_space<semaphore_mem>>) src(%dma_wait3A_66 : memref<2048xf32, #tpu.memory_space<hbm>>) dst(%arg11 : memref<2048xf32, #tpu.memory_space<vmem>>)
        tpu.yield
      }) : () -> ()
      %add3A_43 = arith.constant 524288 : i32
      %add3A_44 = arith.addi %add3A_43, %add3A_36 : i32
      "tpu.region"() ({
        %run_scoped3A = tpu.sem_alloc : memref<!tpu.dma_semaphore, #tpu.memory_space<semaphore_mem>>
        %dma_start3A = tpu.memref_slice %arg4[%add3A_44] : memref<786432xf32, #tpu.memory_space<hbm>> -> memref<2048xf32, #tpu.memory_space<hbm>>
        %dma_start3A_65 = tpu.memref_slice %arg4[%add3A_44] : memref<786432xf32, #tpu.memory_space<hbm>> -> memref<2048xf32, #tpu.memory_space<hbm>>
        tpu.enqueue_dma source(%dma_start3A_65 : memref<2048xf32, #tpu.memory_space<hbm>>) target(%arg12 : memref<2048xf32, #tpu.memory_space<vmem>>) target_semaphore(%run_scoped3A : memref<!tpu.dma_semaphore, #tpu.memory_space<semaphore_mem>>)
        %dma_wait3A = tpu.memref_slice %arg4[%add3A_44] : memref<786432xf32, #tpu.memory_space<hbm>> -> memref<2048xf32, #tpu.memory_space<hbm>>
        %dma_wait3A_66 = tpu.memref_slice %arg4[%add3A_44] : memref<786432xf32, #tpu.memory_space<hbm>> -> memref<2048xf32, #tpu.memory_space<hbm>>
        tpu.wait_dma2 semaphore(%run_scoped3A : memref<!tpu.dma_semaphore, #tpu.memory_space<semaphore_mem>>) src(%dma_wait3A_66 : memref<2048xf32, #tpu.memory_space<hbm>>) dst(%arg12 : memref<2048xf32, #tpu.memory_space<vmem>>)
        tpu.yield
      }) : () -> ()
      %scan3A_45 = arith.constant 0 : i32
      %scan3A_46 = arith.constant 0 : i32
      %scan3A_47 = arith.constant 128 : i32
      %scan3A_48 = arith.addi %scan3A_46, %scan3A_47 : i32
      %scan3A_49 = arith.constant 2 : i32
      scf.for %scan3A_65 = %scan3A_46 to %scan3A_48 step %scan3A_49  : i32 {
        %mul3A_66 = arith.constant 16 : i32
        %mul3A_67 = arith.muli %scan3A_65, %mul3A_66 : i32
        %get3A = arith.index_cast %mul3A_67 : i32 to index
        %get3A_68 = tpu.vector_load %arg7[%get3A] {strides = array<i32>} : memref<2048xi32, #tpu.memory_space<vmem>>, vector<16xi32>,
        %eq3A = arith.constant 149921 : i32
        %eq3A_69 = vector.broadcast %eq3A : i32 to vector<16xi32>
        %eq3A_70 = arith.cmpi eq, %get3A_68, %eq3A_69 : vector<16xi32>
        %jit3A_71 = arith.constant 0 : i32
        %broadcast_in_dim3A = vector.broadcast %jit3A_71 : i32 to vector<16xi32>
        %select_n3A_72 = arith.select %eq3A_70, %broadcast_in_dim3A, %get3A_68 : vector<16xi1>, vector<16xi32>
        %get3A_73 = arith.index_cast %mul3A_67 : i32 to index
        %get3A_74 = tpu.vector_load %arg10[%get3A_73] {strides = array<i32>} : memref<2048xf32, #tpu.memory_space<vmem>>, vector<16xf32>,
        %mul3A_75 = arith.constant 3 : i32
        %mul3A_76 = vector.broadcast %mul3A_75 : i32 to vector<16xi32>
        %mul3A_77 = arith.muli %select_n3A_72, %mul3A_76 : vector<16xi32>
        %add3A_78 = arith.constant 0 : i32
        %add3A_79 = vector.broadcast %add3A_78 : i32 to vector<16xi32>
        %add3A_80 = arith.addi %mul3A_77, %add3A_79 : vector<16xi32>
        %gather3A = tpu.vector_load_idx %arg6[%add3A_80] : memref<30144xf32, #tpu.memory_space<vmem>>[vector<16xi32>], vector<16xf32>,
        %mul3A_81 = arith.mulf %get3A_74, %gather3A : vector<16xf32>
        %add3A_82 = arith.constant 1 : i32
        %add3A_83 = vector.broadcast %add3A_82 : i32 to vector<16xi32>
        %add3A_84 = arith.addi %mul3A_77, %add3A_83 : vector<16xi32>
        %gather3A_85 = tpu.vector_load_idx %arg6[%add3A_84] : memref<30144xf32, #tpu.memory_space<vmem>>[vector<16xi32>], vector<16xf32>,
        %mul3A_86 = arith.mulf %get3A_74, %gather3A_85 : vector<16xf32>
        %add3A_87 = arith.constant 2 : i32
        %add3A_88 = vector.broadcast %add3A_87 : i32 to vector<16xi32>
        %add3A_89 = arith.addi %mul3A_77, %add3A_88 : vector<16xi32>
        %gather3A_90 = tpu.vector_load_idx %arg6[%add3A_89] : memref<30144xf32, #tpu.memory_space<vmem>>[vector<16xi32>], vector<16xf32>,
        %mul3A_91 = arith.mulf %get3A_74, %gather3A_90 : vector<16xf32>
        %add3A_92 = arith.constant 15072 : i32
        %add3A_93 = vector.broadcast %add3A_92 : i32 to vector<16xi32>
        %add3A_94 = arith.addi %mul3A_77, %add3A_93 : vector<16xi32>
        %gather3A_95 = tpu.vector_load_idx %arg6[%add3A_94] : memref<30144xf32, #tpu.memory_space<vmem>>[vector<16xi32>], vector<16xf32>,
        %mul3A_96 = arith.mulf %get3A_74, %gather3A_95 : vector<16xf32>
        %add3A_97 = arith.constant 15073 : i32
        %add3A_98 = vector.broadcast %add3A_97 : i32 to vector<16xi32>
        %add3A_99 = arith.addi %mul3A_77, %add3A_98 : vector<16xi32>
        %gather3A_100 = tpu.vector_load_idx %arg6[%add3A_99] : memref<30144xf32, #tpu.memory_space<vmem>>[vector<16xi32>], vector<16xf32>,
        %mul3A_101 = arith.mulf %get3A_74, %gather3A_100 : vector<16xf32>
        %add3A_102 = arith.constant 15074 : i32
        %add3A_103 = vector.broadcast %add3A_102 : i32 to vector<16xi32>
        %add3A_104 = arith.addi %mul3A_77, %add3A_103 : vector<16xi32>
        %gather3A_105 = tpu.vector_load_idx %arg6[%add3A_104] : memref<30144xf32, #tpu.memory_space<vmem>>[vector<16xi32>], vector<16xf32>,
        %mul3A_106 = arith.mulf %get3A_74, %gather3A_105 : vector<16xf32>
        %get3A_107 = arith.index_cast %mul3A_67 : i32 to index
        %get3A_108 = tpu.vector_load %arg8[%get3A_107] {strides = array<i32>} : memref<2048xi32, #tpu.memory_space<vmem>>, vector<16xi32>,
        %eq3A_109 = arith.constant 149921 : i32
        %eq3A_110 = vector.broadcast %eq3A_109 : i32 to vector<16xi32>
        %eq3A_111 = arith.cmpi eq, %get3A_108, %eq3A_110 : vector<16xi32>
        %jit3A_112 = arith.constant 0 : i32
        %broadcast_in_dim3A_113 = vector.broadcast %jit3A_112 : i32 to vector<16xi32>
        %select_n3A_114 = arith.select %eq3A_111, %broadcast_in_dim3A_113, %get3A_108 : vector<16xi1>, vector<16xi32>
        %get3A_115 = arith.index_cast %mul3A_67 : i32 to index
        %get3A_116 = tpu.vector_load %arg11[%get3A_115] {strides = array<i32>} : memref<2048xf32, #tpu.memory_space<vmem>>, vector<16xf32>,
        %mul3A_117 = arith.constant 3 : i32
        %mul3A_118 = vector.broadcast %mul3A_117 : i32 to vector<16xi32>
        %mul3A_119 = arith.muli %select_n3A_114, %mul3A_118 : vector<16xi32>
        %add3A_120 = arith.constant 0 : i32
        %add3A_121 = vector.broadcast %add3A_120 : i32 to vector<16xi32>
        %add3A_122 = arith.addi %mul3A_119, %add3A_121 : vector<16xi32>
        %gather3A_123 = tpu.vector_load_idx %arg6[%add3A_122] : memref<30144xf32, #tpu.memory_space<vmem>>[vector<16xi32>], vector<16xf32>,
        %mul3A_124 = arith.mulf %get3A_116, %gather3A_123 : vector<16xf32>
        %add3A_125 = arith.addf %mul3A_81, %mul3A_124 : vector<16xf32>
        %add3A_126 = arith.constant 1 : i32
        %add3A_127 = vector.broadcast %add3A_126 : i32 to vector<16xi32>
        %add3A_128 = arith.addi %mul3A_119, %add3A_127 : vector<16xi32>
        %gather3A_129 = tpu.vector_load_idx %arg6[%add3A_128] : memref<30144xf32, #tpu.memory_space<vmem>>[vector<16xi32>], vector<16xf32>,
        %mul3A_130 = arith.mulf %get3A_116, %gather3A_129 : vector<16xf32>
        %add3A_131 = arith.addf %mul3A_86, %mul3A_130 : vector<16xf32>
        %add3A_132 = arith.constant 2 : i32
        %add3A_133 = vector.broadcast %add3A_132 : i32 to vector<16xi32>
        %add3A_134 = arith.addi %mul3A_119, %add3A_133 : vector<16xi32>
        %gather3A_135 = tpu.vector_load_idx %arg6[%add3A_134] : memref<30144xf32, #tpu.memory_space<vmem>>[vector<16xi32>], vector<16xf32>,
        %mul3A_136 = arith.mulf %get3A_116, %gather3A_135 : vector<16xf32>
        %add3A_137 = arith.addf %mul3A_91, %mul3A_136 : vector<16xf32>
        %add3A_138 = arith.constant 15072 : i32
        %add3A_139 = vector.broadcast %add3A_138 : i32 to vector<16xi32>
        %add3A_140 = arith.addi %mul3A_119, %add3A_139 : vector<16xi32>
        %gather3A_141 = tpu.vector_load_idx %arg6[%add3A_140] : memref<30144xf32, #tpu.memory_space<vmem>>[vector<16xi32>], vector<16xf32>,
        %mul3A_142 = arith.mulf %get3A_116, %gather3A_141 : vector<16xf32>
        %add3A_143 = arith.addf %mul3A_96, %mul3A_142 : vector<16xf32>
        %add3A_144 = arith.constant 15073 : i32
        %add3A_145 = vector.broadcast %add3A_144 : i32 to vector<16xi32>
        %add3A_146 = arith.addi %mul3A_119, %add3A_145 : vector<16xi32>
        %gather3A_147 = tpu.vector_load_idx %arg6[%add3A_146] : memref<30144xf32, #tpu.memory_space<vmem>>[vector<16xi32>], vector<16xf32>,
        %mul3A_148 = arith.mulf %get3A_116, %gather3A_147 : vector<16xf32>
        %add3A_149 = arith.addf %mul3A_101, %mul3A_148 : vector<16xf32>
        %add3A_150 = arith.constant 15074 : i32
        %add3A_151 = vector.broadcast %add3A_150 : i32 to vector<16xi32>
        %add3A_152 = arith.addi %mul3A_119, %add3A_151 : vector<16xi32>
        %gather3A_153 = tpu.vector_load_idx %arg6[%add3A_152] : memref<30144xf32, #tpu.memory_space<vmem>>[vector<16xi32>], vector<16xf32>,
        %mul3A_154 = arith.mulf %get3A_116, %gather3A_153 : vector<16xf32>
        %add3A_155 = arith.addf %mul3A_106, %mul3A_154 : vector<16xf32>
        %get3A_156 = arith.index_cast %mul3A_67 : i32 to index
        %get3A_157 = tpu.vector_load %arg9[%get3A_156] {strides = array<i32>} : memref<2048xi32, #tpu.memory_space<vmem>>, vector<16xi32>,
        %eq3A_158 = arith.constant 149921 : i32
        %eq3A_159 = vector.broadcast %eq3A_158 : i32 to vector<16xi32>
        %eq3A_160 = arith.cmpi eq, %get3A_157, %eq3A_159 : vector<16xi32>
        %jit3A_161 = arith.constant 0 : i32
        %broadcast_in_dim3A_162 = vector.broadcast %jit3A_161 : i32 to vector<16xi32>
        %select_n3A_163 = arith.select %eq3A_160, %broadcast_in_dim3A_162, %get3A_157 : vector<16xi1>, vector<16xi32>
        %get3A_164 = arith.index_cast %mul3A_67 : i32 to index
        %get3A_165 = tpu.vector_load %arg12[%get3A_164] {strides = array<i32>} : memref<2048xf32, #tpu.memory_space<vmem>>, vector<16xf32>,
        %mul3A_166 = arith.constant 3 : i32
        %mul3A_167 = vector.broadcast %mul3A_166 : i32 to vector<16xi32>
        %mul3A_168 = arith.muli %select_n3A_163, %mul3A_167 : vector<16xi32>
        %add3A_169 = arith.constant 0 : i32
        %add3A_170 = vector.broadcast %add3A_169 : i32 to vector<16xi32>
        %add3A_171 = arith.addi %mul3A_168, %add3A_170 : vector<16xi32>
        %gather3A_172 = tpu.vector_load_idx %arg6[%add3A_171] : memref<30144xf32, #tpu.memory_space<vmem>>[vector<16xi32>], vector<16xf32>,
        %mul3A_173 = arith.mulf %get3A_165, %gather3A_172 : vector<16xf32>
        %add3A_174 = arith.addf %add3A_125, %mul3A_173 : vector<16xf32>
        %add3A_175 = arith.constant 1 : i32
        %add3A_176 = vector.broadcast %add3A_175 : i32 to vector<16xi32>
        %add3A_177 = arith.addi %mul3A_168, %add3A_176 : vector<16xi32>
        %gather3A_178 = tpu.vector_load_idx %arg6[%add3A_177] : memref<30144xf32, #tpu.memory_space<vmem>>[vector<16xi32>], vector<16xf32>,
        %mul3A_179 = arith.mulf %get3A_165, %gather3A_178 : vector<16xf32>
        %add3A_180 = arith.addf %add3A_131, %mul3A_179 : vector<16xf32>
        %add3A_181 = arith.constant 2 : i32
        %add3A_182 = vector.broadcast %add3A_181 : i32 to vector<16xi32>
        %add3A_183 = arith.addi %mul3A_168, %add3A_182 : vector<16xi32>
        %gather3A_184 = tpu.vector_load_idx %arg6[%add3A_183] : memref<30144xf32, #tpu.memory_space<vmem>>[vector<16xi32>], vector<16xf32>,
        %mul3A_185 = arith.mulf %get3A_165, %gather3A_184 : vector<16xf32>
        %add3A_186 = arith.addf %add3A_137, %mul3A_185 : vector<16xf32>
        %add3A_187 = arith.constant 15072 : i32
        %add3A_188 = vector.broadcast %add3A_187 : i32 to vector<16xi32>
        %add3A_189 = arith.addi %mul3A_168, %add3A_188 : vector<16xi32>
        %gather3A_190 = tpu.vector_load_idx %arg6[%add3A_189] : memref<30144xf32, #tpu.memory_space<vmem>>[vector<16xi32>], vector<16xf32>,
        %mul3A_191 = arith.mulf %get3A_165, %gather3A_190 : vector<16xf32>
        %add3A_192 = arith.addf %add3A_143, %mul3A_191 : vector<16xf32>
        %add3A_193 = arith.constant 15073 : i32
        %add3A_194 = vector.broadcast %add3A_193 : i32 to vector<16xi32>
        %add3A_195 = arith.addi %mul3A_168, %add3A_194 : vector<16xi32>
        %gather3A_196 = tpu.vector_load_idx %arg6[%add3A_195] : memref<30144xf32, #tpu.memory_space<vmem>>[vector<16xi32>], vector<16xf32>,
        %mul3A_197 = arith.mulf %get3A_165, %gather3A_196 : vector<16xf32>
        %add3A_198 = arith.addf %add3A_149, %mul3A_197 : vector<16xf32>
        %add3A_199 = arith.constant 15074 : i32
        %add3A_200 = vector.broadcast %add3A_199 : i32 to vector<16xi32>
        %add3A_201 = arith.addi %mul3A_168, %add3A_200 : vector<16xi32>
        %gather3A_202 = tpu.vector_load_idx %arg6[%add3A_201] : memref<30144xf32, #tpu.memory_space<vmem>>[vector<16xi32>], vector<16xf32>,
        %mul3A_203 = arith.mulf %get3A_165, %gather3A_202 : vector<16xf32>
        %add3A_204 = arith.addf %add3A_155, %mul3A_203 : vector<16xf32>
        %mul3A_205 = arith.constant 48 : i32
        %mul3A_206 = arith.muli %scan3A_65, %mul3A_205 : i32
        %add3A_207 = vector.broadcast %mul3A_206 : i32 to vector<16xi32>
        %add3A_208 = arith.addi %mul3A_27, %add3A_207 : vector<16xi32>
        %add3A_209 = arith.constant 0 : i32
        %add3A_210 = vector.broadcast %add3A_209 : i32 to vector<16xi32>
        %add3A_211 = arith.addi %add3A_208, %add3A_210 : vector<16xi32>
        tpu.vector_store_idx %arg13[%add3A_211], %add3A_174 : memref<12288xf32, #tpu.memory_space<vmem>>[vector<16xi32>], vector<16xf32>,
        %add3A_212 = arith.constant 1 : i32
        %add3A_213 = vector.broadcast %add3A_212 : i32 to vector<16xi32>
        %add3A_214 = arith.addi %add3A_208, %add3A_213 : vector<16xi32>
        tpu.vector_store_idx %arg13[%add3A_214], %add3A_180 : memref<12288xf32, #tpu.memory_space<vmem>>[vector<16xi32>], vector<16xf32>,
        %add3A_215 = arith.constant 2 : i32
        %add3A_216 = vector.broadcast %add3A_215 : i32 to vector<16xi32>
        %add3A_217 = arith.addi %add3A_208, %add3A_216 : vector<16xi32>
        tpu.vector_store_idx %arg13[%add3A_217], %add3A_186 : memref<12288xf32, #tpu.memory_space<vmem>>[vector<16xi32>], vector<16xf32>,
        %add3A_218 = arith.constant 6144 : i32
        %add3A_219 = vector.broadcast %add3A_218 : i32 to vector<16xi32>
        %add3A_220 = arith.addi %add3A_208, %add3A_219 : vector<16xi32>
        tpu.vector_store_idx %arg13[%add3A_220], %add3A_192 : memref<12288xf32, #tpu.memory_space<vmem>>[vector<16xi32>], vector<16xf32>,
        %add3A_221 = arith.constant 6145 : i32
        %add3A_222 = vector.broadcast %add3A_221 : i32 to vector<16xi32>
        %add3A_223 = arith.addi %add3A_208, %add3A_222 : vector<16xi32>
        tpu.vector_store_idx %arg13[%add3A_223], %add3A_198 : memref<12288xf32, #tpu.memory_space<vmem>>[vector<16xi32>], vector<16xf32>,
        %add3A_224 = arith.constant 6146 : i32
        %add3A_225 = vector.broadcast %add3A_224 : i32 to vector<16xi32>
        %add3A_226 = arith.addi %add3A_208, %add3A_225 : vector<16xi32>
        tpu.vector_store_idx %arg13[%add3A_226], %add3A_204 : memref<12288xf32, #tpu.memory_space<vmem>>[vector<16xi32>], vector<16xf32>,
        %scan3A_227 = arith.constant 1 : i32
        %scan3A_228 = arith.addi %scan3A_65, %scan3A_227 : i32
        %mul3A_229 = arith.constant 16 : i32
        %mul3A_230 = arith.muli %scan3A_228, %mul3A_229 : i32
        %get3A_231 = arith.index_cast %mul3A_230 : i32 to index
        %get3A_232 = tpu.vector_load %arg7[%get3A_231] {strides = array<i32>} : memref<2048xi32, #tpu.memory_space<vmem>>, vector<16xi32>,
        %eq3A_233 = arith.constant 149921 : i32
        %eq3A_234 = vector.broadcast %eq3A_233 : i32 to vector<16xi32>
        %eq3A_235 = arith.cmpi eq, %get3A_232, %eq3A_234 : vector<16xi32>
        %jit3A_236 = arith.constant 0 : i32
        %broadcast_in_dim3A_237 = vector.broadcast %jit3A_236 : i32 to vector<16xi32>
        %select_n3A_238 = arith.select %eq3A_235, %broadcast_in_dim3A_237, %get3A_232 : vector<16xi1>, vector<16xi32>
        %get3A_239 = arith.index_cast %mul3A_230 : i32 to index
        %get3A_240 = tpu.vector_load %arg10[%get3A_239] {strides = array<i32>} : memref<2048xf32, #tpu.memory_space<vmem>>, vector<16xf32>,
        %mul3A_241 = arith.constant 3 : i32
        %mul3A_242 = vector.broadcast %mul3A_241 : i32 to vector<16xi32>
        %mul3A_243 = arith.muli %select_n3A_238, %mul3A_242 : vector<16xi32>
        %add3A_244 = arith.constant 0 : i32
        %add3A_245 = vector.broadcast %add3A_244 : i32 to vector<16xi32>
        %add3A_246 = arith.addi %mul3A_243, %add3A_245 : vector<16xi32>
        %gather3A_247 = tpu.vector_load_idx %arg6[%add3A_246] : memref<30144xf32, #tpu.memory_space<vmem>>[vector<16xi32>], vector<16xf32>,
        %mul3A_248 = arith.mulf %get3A_240, %gather3A_247 : vector<16xf32>
        %add3A_249 = arith.constant 1 : i32
        %add3A_250 = vector.broadcast %add3A_249 : i32 to vector<16xi32>
        %add3A_251 = arith.addi %mul3A_243, %add3A_250 : vector<16xi32>
        %gather3A_252 = tpu.vector_load_idx %arg6[%add3A_251] : memref<30144xf32, #tpu.memory_space<vmem>>[vector<16xi32>], vector<16xf32>,
        %mul3A_253 = arith.mulf %get3A_240, %gather3A_252 : vector<16xf32>
        %add3A_254 = arith.constant 2 : i32
        %add3A_255 = vector.broadcast %add3A_254 : i32 to vector<16xi32>
        %add3A_256 = arith.addi %mul3A_243, %add3A_255 : vector<16xi32>
        %gather3A_257 = tpu.vector_load_idx %arg6[%add3A_256] : memref<30144xf32, #tpu.memory_space<vmem>>[vector<16xi32>], vector<16xf32>,
        %mul3A_258 = arith.mulf %get3A_240, %gather3A_257 : vector<16xf32>
        %add3A_259 = arith.constant 15072 : i32
        %add3A_260 = vector.broadcast %add3A_259 : i32 to vector<16xi32>
        %add3A_261 = arith.addi %mul3A_243, %add3A_260 : vector<16xi32>
        %gather3A_262 = tpu.vector_load_idx %arg6[%add3A_261] : memref<30144xf32, #tpu.memory_space<vmem>>[vector<16xi32>], vector<16xf32>,
        %mul3A_263 = arith.mulf %get3A_240, %gather3A_262 : vector<16xf32>
        %add3A_264 = arith.constant 15073 : i32
        %add3A_265 = vector.broadcast %add3A_264 : i32 to vector<16xi32>
        %add3A_266 = arith.addi %mul3A_243, %add3A_265 : vector<16xi32>
        %gather3A_267 = tpu.vector_load_idx %arg6[%add3A_266] : memref<30144xf32, #tpu.memory_space<vmem>>[vector<16xi32>], vector<16xf32>,
        %mul3A_268 = arith.mulf %get3A_240, %gather3A_267 : vector<16xf32>
        %add3A_269 = arith.constant 15074 : i32
        %add3A_270 = vector.broadcast %add3A_269 : i32 to vector<16xi32>
        %add3A_271 = arith.addi %mul3A_243, %add3A_270 : vector<16xi32>
        %gather3A_272 = tpu.vector_load_idx %arg6[%add3A_271] : memref<30144xf32, #tpu.memory_space<vmem>>[vector<16xi32>], vector<16xf32>,
        %mul3A_273 = arith.mulf %get3A_240, %gather3A_272 : vector<16xf32>
        %get3A_274 = arith.index_cast %mul3A_230 : i32 to index
        %get3A_275 = tpu.vector_load %arg8[%get3A_274] {strides = array<i32>} : memref<2048xi32, #tpu.memory_space<vmem>>, vector<16xi32>,
        %eq3A_276 = arith.constant 149921 : i32
        %eq3A_277 = vector.broadcast %eq3A_276 : i32 to vector<16xi32>
        %eq3A_278 = arith.cmpi eq, %get3A_275, %eq3A_277 : vector<16xi32>
        %jit3A_279 = arith.constant 0 : i32
        %broadcast_in_dim3A_280 = vector.broadcast %jit3A_279 : i32 to vector<16xi32>
        %select_n3A_281 = arith.select %eq3A_278, %broadcast_in_dim3A_280, %get3A_275 : vector<16xi1>, vector<16xi32>
        %get3A_282 = arith.index_cast %mul3A_230 : i32 to index
        %get3A_283 = tpu.vector_load %arg11[%get3A_282] {strides = array<i32>} : memref<2048xf32, #tpu.memory_space<vmem>>, vector<16xf32>,
        %mul3A_284 = arith.constant 3 : i32
        %mul3A_285 = vector.broadcast %mul3A_284 : i32 to vector<16xi32>
        %mul3A_286 = arith.muli %select_n3A_281, %mul3A_285 : vector<16xi32>
        %add3A_287 = arith.constant 0 : i32
        %add3A_288 = vector.broadcast %add3A_287 : i32 to vector<16xi32>
        %add3A_289 = arith.addi %mul3A_286, %add3A_288 : vector<16xi32>
        %gather3A_290 = tpu.vector_load_idx %arg6[%add3A_289] : memref<30144xf32, #tpu.memory_space<vmem>>[vector<16xi32>], vector<16xf32>,
        %mul3A_291 = arith.mulf %get3A_283, %gather3A_290 : vector<16xf32>
        %add3A_292 = arith.addf %mul3A_248, %mul3A_291 : vector<16xf32>
        %add3A_293 = arith.constant 1 : i32
        %add3A_294 = vector.broadcast %add3A_293 : i32 to vector<16xi32>
        %add3A_295 = arith.addi %mul3A_286, %add3A_294 : vector<16xi32>
        %gather3A_296 = tpu.vector_load_idx %arg6[%add3A_295] : memref<30144xf32, #tpu.memory_space<vmem>>[vector<16xi32>], vector<16xf32>,
        %mul3A_297 = arith.mulf %get3A_283, %gather3A_296 : vector<16xf32>
        %add3A_298 = arith.addf %mul3A_253, %mul3A_297 : vector<16xf32>
        %add3A_299 = arith.constant 2 : i32
        %add3A_300 = vector.broadcast %add3A_299 : i32 to vector<16xi32>
        %add3A_301 = arith.addi %mul3A_286, %add3A_300 : vector<16xi32>
        %gather3A_302 = tpu.vector_load_idx %arg6[%add3A_301] : memref<30144xf32, #tpu.memory_space<vmem>>[vector<16xi32>], vector<16xf32>,
        %mul3A_303 = arith.mulf %get3A_283, %gather3A_302 : vector<16xf32>
        %add3A_304 = arith.addf %mul3A_258, %mul3A_303 : vector<16xf32>
        %add3A_305 = arith.constant 15072 : i32
        %add3A_306 = vector.broadcast %add3A_305 : i32 to vector<16xi32>
        %add3A_307 = arith.addi %mul3A_286, %add3A_306 : vector<16xi32>
        %gather3A_308 = tpu.vector_load_idx %arg6[%add3A_307] : memref<30144xf32, #tpu.memory_space<vmem>>[vector<16xi32>], vector<16xf32>,
        %mul3A_309 = arith.mulf %get3A_283, %gather3A_308 : vector<16xf32>
        %add3A_310 = arith.addf %mul3A_263, %mul3A_309 : vector<16xf32>
        %add3A_311 = arith.constant 15073 : i32
        %add3A_312 = vector.broadcast %add3A_311 : i32 to vector<16xi32>
        %add3A_313 = arith.addi %mul3A_286, %add3A_312 : vector<16xi32>
        %gather3A_314 = tpu.vector_load_idx %arg6[%add3A_313] : memref<30144xf32, #tpu.memory_space<vmem>>[vector<16xi32>], vector<16xf32>,
        %mul3A_315 = arith.mulf %get3A_283, %gather3A_314 : vector<16xf32>
        %add3A_316 = arith.addf %mul3A_268, %mul3A_315 : vector<16xf32>
        %add3A_317 = arith.constant 15074 : i32
        %add3A_318 = vector.broadcast %add3A_317 : i32 to vector<16xi32>
        %add3A_319 = arith.addi %mul3A_286, %add3A_318 : vector<16xi32>
        %gather3A_320 = tpu.vector_load_idx %arg6[%add3A_319] : memref<30144xf32, #tpu.memory_space<vmem>>[vector<16xi32>], vector<16xf32>,
        %mul3A_321 = arith.mulf %get3A_283, %gather3A_320 : vector<16xf32>
        %add3A_322 = arith.addf %mul3A_273, %mul3A_321 : vector<16xf32>
        %get3A_323 = arith.index_cast %mul3A_230 : i32 to index
        %get3A_324 = tpu.vector_load %arg9[%get3A_323] {strides = array<i32>} : memref<2048xi32, #tpu.memory_space<vmem>>, vector<16xi32>,
        %eq3A_325 = arith.constant 149921 : i32
        %eq3A_326 = vector.broadcast %eq3A_325 : i32 to vector<16xi32>
        %eq3A_327 = arith.cmpi eq, %get3A_324, %eq3A_326 : vector<16xi32>
        %jit3A_328 = arith.constant 0 : i32
        %broadcast_in_dim3A_329 = vector.broadcast %jit3A_328 : i32 to vector<16xi32>
        %select_n3A_330 = arith.select %eq3A_327, %broadcast_in_dim3A_329, %get3A_324 : vector<16xi1>, vector<16xi32>
        %get3A_331 = arith.index_cast %mul3A_230 : i32 to index
        %get3A_332 = tpu.vector_load %arg12[%get3A_331] {strides = array<i32>} : memref<2048xf32, #tpu.memory_space<vmem>>, vector<16xf32>,
        %mul3A_333 = arith.constant 3 : i32
        %mul3A_334 = vector.broadcast %mul3A_333 : i32 to vector<16xi32>
        %mul3A_335 = arith.muli %select_n3A_330, %mul3A_334 : vector<16xi32>
        %add3A_336 = arith.constant 0 : i32
        %add3A_337 = vector.broadcast %add3A_336 : i32 to vector<16xi32>
        %add3A_338 = arith.addi %mul3A_335, %add3A_337 : vector<16xi32>
        %gather3A_339 = tpu.vector_load_idx %arg6[%add3A_338] : memref<30144xf32, #tpu.memory_space<vmem>>[vector<16xi32>], vector<16xf32>,
        %mul3A_340 = arith.mulf %get3A_332, %gather3A_339 : vector<16xf32>
        %add3A_341 = arith.addf %add3A_292, %mul3A_340 : vector<16xf32>
        %add3A_342 = arith.constant 1 : i32
        %add3A_343 = vector.broadcast %add3A_342 : i32 to vector<16xi32>
        %add3A_344 = arith.addi %mul3A_335, %add3A_343 : vector<16xi32>
        %gather3A_345 = tpu.vector_load_idx %arg6[%add3A_344] : memref<30144xf32, #tpu.memory_space<vmem>>[vector<16xi32>], vector<16xf32>,
        %mul3A_346 = arith.mulf %get3A_332, %gather3A_345 : vector<16xf32>
        %add3A_347 = arith.addf %add3A_298, %mul3A_346 : vector<16xf32>
        %add3A_348 = arith.constant 2 : i32
        %add3A_349 = vector.broadcast %add3A_348 : i32 to vector<16xi32>
        %add3A_350 = arith.addi %mul3A_335, %add3A_349 : vector<16xi32>
        %gather3A_351 = tpu.vector_load_idx %arg6[%add3A_350] : memref<30144xf32, #tpu.memory_space<vmem>>[vector<16xi32>], vector<16xf32>,
        %mul3A_352 = arith.mulf %get3A_332, %gather3A_351 : vector<16xf32>
        %add3A_353 = arith.addf %add3A_304, %mul3A_352 : vector<16xf32>
        %add3A_354 = arith.constant 15072 : i32
        %add3A_355 = vector.broadcast %add3A_354 : i32 to vector<16xi32>
        %add3A_356 = arith.addi %mul3A_335, %add3A_355 : vector<16xi32>
        %gather3A_357 = tpu.vector_load_idx %arg6[%add3A_356] : memref<30144xf32, #tpu.memory_space<vmem>>[vector<16xi32>], vector<16xf32>,
        %mul3A_358 = arith.mulf %get3A_332, %gather3A_357 : vector<16xf32>
        %add3A_359 = arith.addf %add3A_310, %mul3A_358 : vector<16xf32>
        %add3A_360 = arith.constant 15073 : i32
        %add3A_361 = vector.broadcast %add3A_360 : i32 to vector<16xi32>
        %add3A_362 = arith.addi %mul3A_335, %add3A_361 : vector<16xi32>
        %gather3A_363 = tpu.vector_load_idx %arg6[%add3A_362] : memref<30144xf32, #tpu.memory_space<vmem>>[vector<16xi32>], vector<16xf32>,
        %mul3A_364 = arith.mulf %get3A_332, %gather3A_363 : vector<16xf32>
        %add3A_365 = arith.addf %add3A_316, %mul3A_364 : vector<16xf32>
        %add3A_366 = arith.constant 15074 : i32
        %add3A_367 = vector.broadcast %add3A_366 : i32 to vector<16xi32>
        %add3A_368 = arith.addi %mul3A_335, %add3A_367 : vector<16xi32>
        %gather3A_369 = tpu.vector_load_idx %arg6[%add3A_368] : memref<30144xf32, #tpu.memory_space<vmem>>[vector<16xi32>], vector<16xf32>,
        %mul3A_370 = arith.mulf %get3A_332, %gather3A_369 : vector<16xf32>
        %add3A_371 = arith.addf %add3A_322, %mul3A_370 : vector<16xf32>
        %mul3A_372 = arith.constant 48 : i32
        %mul3A_373 = arith.muli %scan3A_228, %mul3A_372 : i32
        %add3A_374 = vector.broadcast %mul3A_373 : i32 to vector<16xi32>
        %add3A_375 = arith.addi %mul3A_27, %add3A_374 : vector<16xi32>
        %add3A_376 = arith.constant 0 : i32
        %add3A_377 = vector.broadcast %add3A_376 : i32 to vector<16xi32>
        %add3A_378 = arith.addi %add3A_375, %add3A_377 : vector<16xi32>
        tpu.vector_store_idx %arg13[%add3A_378], %add3A_341 : memref<12288xf32, #tpu.memory_space<vmem>>[vector<16xi32>], vector<16xf32>,
        %add3A_379 = arith.constant 1 : i32
        %add3A_380 = vector.broadcast %add3A_379 : i32 to vector<16xi32>
        %add3A_381 = arith.addi %add3A_375, %add3A_380 : vector<16xi32>
        tpu.vector_store_idx %arg13[%add3A_381], %add3A_347 : memref<12288xf32, #tpu.memory_space<vmem>>[vector<16xi32>], vector<16xf32>,
        %add3A_382 = arith.constant 2 : i32
        %add3A_383 = vector.broadcast %add3A_382 : i32 to vector<16xi32>
        %add3A_384 = arith.addi %add3A_375, %add3A_383 : vector<16xi32>
        tpu.vector_store_idx %arg13[%add3A_384], %add3A_353 : memref<12288xf32, #tpu.memory_space<vmem>>[vector<16xi32>], vector<16xf32>,
        %add3A_385 = arith.constant 6144 : i32
        %add3A_386 = vector.broadcast %add3A_385 : i32 to vector<16xi32>
        %add3A_387 = arith.addi %add3A_375, %add3A_386 : vector<16xi32>
        tpu.vector_store_idx %arg13[%add3A_387], %add3A_359 : memref<12288xf32, #tpu.memory_space<vmem>>[vector<16xi32>], vector<16xf32>,
        %add3A_388 = arith.constant 6145 : i32
        %add3A_389 = vector.broadcast %add3A_388 : i32 to vector<16xi32>
        %add3A_390 = arith.addi %add3A_375, %add3A_389 : vector<16xi32>
        tpu.vector_store_idx %arg13[%add3A_390], %add3A_365 : memref<12288xf32, #tpu.memory_space<vmem>>[vector<16xi32>], vector<16xf32>,
        %add3A_391 = arith.constant 6146 : i32
        %add3A_392 = vector.broadcast %add3A_391 : i32 to vector<16xi32>
        %add3A_393 = arith.addi %add3A_375, %add3A_392 : vector<16xi32>
        tpu.vector_store_idx %arg13[%add3A_393], %add3A_371 : memref<12288xf32, #tpu.memory_space<vmem>>[vector<16xi32>], vector<16xf32>,
      }
      %scan3A_50 = arith.constant 128 : i32
      %add3A_51 = arith.constant 0 : i32
      %add3A_52 = arith.addi %mul3A_20, %add3A_51 : i32
      %mul3A_53 = arith.constant 786432 : i32
      %mul3A_54 = arith.muli %add3A_52, %mul3A_53 : i32
      %mul3A_55 = arith.constant 3 : i32
      %mul3A_56 = arith.muli %add3A_36, %mul3A_55 : i32
      %add3A_57 = arith.addi %mul3A_54, %mul3A_56 : i32
      "tpu.region"() ({
        %run_scoped3A = tpu.sem_alloc : memref<!tpu.dma_semaphore, #tpu.memory_space<semaphore_mem>>
        %dma_start3A = arith.constant 0 : i32
        %dma_start3A_65 = tpu.memref_slice %arg13[%dma_start3A] : memref<12288xf32, #tpu.memory_space<vmem>> -> memref<6144xf32, #tpu.memory_space<vmem>>
        %dma_start3A_66 = tpu.memref_slice %arg5[%add3A_57] : memref<6291456xf32, #tpu.memory_space<hbm>> -> memref<6144xf32, #tpu.memory_space<hbm>>
        %dma_start3A_67 = tpu.memref_slice %arg5[%add3A_57] : memref<6291456xf32, #tpu.memory_space<hbm>> -> memref<6144xf32, #tpu.memory_space<hbm>>
        %dma_start3A_68 = arith.constant 0 : i32
        %dma_start3A_69 = tpu.memref_slice %arg13[%dma_start3A_68] : memref<12288xf32, #tpu.memory_space<vmem>> -> memref<6144xf32, #tpu.memory_space<vmem>>
        tpu.enqueue_dma source(%dma_start3A_69 : memref<6144xf32, #tpu.memory_space<vmem>>) target(%dma_start3A_67 : memref<6144xf32, #tpu.memory_space<hbm>>) target_semaphore(%run_scoped3A : memref<!tpu.dma_semaphore, #tpu.memory_space<semaphore_mem>>)
        %dma_wait3A = arith.constant 0 : i32
        %dma_wait3A_70 = tpu.memref_slice %arg13[%dma_wait3A] : memref<12288xf32, #tpu.memory_space<vmem>> -> memref<6144xf32, #tpu.memory_space<vmem>>
        %dma_wait3A_71 = tpu.memref_slice %arg5[%add3A_57] : memref<6291456xf32, #tpu.memory_space<hbm>> -> memref<6144xf32, #tpu.memory_space<hbm>>
        %dma_wait3A_72 = tpu.memref_slice %arg5[%add3A_57] : memref<6291456xf32, #tpu.memory_space<hbm>> -> memref<6144xf32, #tpu.memory_space<hbm>>
        %dma_wait3A_73 = arith.constant 0 : i32
        %dma_wait3A_74 = tpu.memref_slice %arg13[%dma_wait3A_73] : memref<12288xf32, #tpu.memory_space<vmem>> -> memref<6144xf32, #tpu.memory_space<vmem>>
        tpu.wait_dma2 semaphore(%run_scoped3A : memref<!tpu.dma_semaphore, #tpu.memory_space<semaphore_mem>>) src(%dma_wait3A_74 : memref<6144xf32, #tpu.memory_space<vmem>>) dst(%dma_wait3A_72 : memref<6144xf32, #tpu.memory_space<hbm>>)
        tpu.yield
      }) : () -> ()
      %add3A_58 = arith.constant 1 : i32
      %add3A_59 = arith.addi %mul3A_20, %add3A_58 : i32
      %mul3A_60 = arith.constant 786432 : i32
      %mul3A_61 = arith.muli %add3A_59, %mul3A_60 : i32
      %mul3A_62 = arith.constant 3 : i32
      %mul3A_63 = arith.muli %add3A_36, %mul3A_62 : i32
      %add3A_64 = arith.addi %mul3A_61, %mul3A_63 : i32
      "tpu.region"() ({
        %run_scoped3A = tpu.sem_alloc : memref<!tpu.dma_semaphore, #tpu.memory_space<semaphore_mem>>
        %dma_start3A = arith.constant 6144 : i32
        %dma_start3A_65 = tpu.memref_slice %arg13[%dma_start3A] : memref<12288xf32, #tpu.memory_space<vmem>> -> memref<6144xf32, #tpu.memory_space<vmem>>
        %dma_start3A_66 = tpu.memref_slice %arg5[%add3A_64] : memref<6291456xf32, #tpu.memory_space<hbm>> -> memref<6144xf32, #tpu.memory_space<hbm>>
        %dma_start3A_67 = tpu.memref_slice %arg5[%add3A_64] : memref<6291456xf32, #tpu.memory_space<hbm>> -> memref<6144xf32, #tpu.memory_space<hbm>>
        %dma_start3A_68 = arith.constant 6144 : i32
        %dma_start3A_69 = tpu.memref_slice %arg13[%dma_start3A_68] : memref<12288xf32, #tpu.memory_space<vmem>> -> memref<6144xf32, #tpu.memory_space<vmem>>
        tpu.enqueue_dma source(%dma_start3A_69 : memref<6144xf32, #tpu.memory_space<vmem>>) target(%dma_start3A_67 : memref<6144xf32, #tpu.memory_space<hbm>>) target_semaphore(%run_scoped3A : memref<!tpu.dma_semaphore, #tpu.memory_space<semaphore_mem>>)
        %dma_wait3A = arith.constant 6144 : i32
        %dma_wait3A_70 = tpu.memref_slice %arg13[%dma_wait3A] : memref<12288xf32, #tpu.memory_space<vmem>> -> memref<6144xf32, #tpu.memory_space<vmem>>
        %dma_wait3A_71 = tpu.memref_slice %arg5[%add3A_64] : memref<6291456xf32, #tpu.memory_space<hbm>> -> memref<6144xf32, #tpu.memory_space<hbm>>
        %dma_wait3A_72 = tpu.memref_slice %arg5[%add3A_64] : memref<6291456xf32, #tpu.memory_space<hbm>> -> memref<6144xf32, #tpu.memory_space<hbm>>
        %dma_wait3A_73 = arith.constant 6144 : i32
        %dma_wait3A_74 = tpu.memref_slice %arg13[%dma_wait3A_73] : memref<12288xf32, #tpu.memory_space<vmem>> -> memref<6144xf32, #tpu.memory_space<vmem>>
        tpu.wait_dma2 semaphore(%run_scoped3A : memref<!tpu.dma_semaphore, #tpu.memory_space<semaphore_mem>>) src(%dma_wait3A_74 : memref<6144xf32, #tpu.memory_space<vmem>>) dst(%dma_wait3A_72 : memref<6144xf32, #tpu.memory_space<hbm>>)
        tpu.yield
      }) : () -> ()
    }
    %scan3A_32 = arith.constant 16 : i32
    return
  }
}

</mosaic_0001>

<sc_bundles>
// kernel: kernel.3.cloned.1.call-start
scs
__scs_entry_jumppad:
0x0: {  	(pc) =	sbr.rel $0x88, $3  }
0x1: {  	(tag) =	ssettag $0x0;
	lr =	simm.s32 $0x1  }
0x2: {  	[smem:$0x3F9E] =	sst lr;
	_ =	strace $0xD0000000  }
0x3: {  	_ = 	snop  }
0x4: {  	_ = 	snop  }
0x5: {  	_ = 	snop  }
0x6: {  	_ = 	snop  }
0x7: {  	_ = 	snop  }
__scs_overlays_trampoline_lowered:
0x8: {  	[smem:$0x3FAD] =	sst s0  }
0x9: {  	[smem:$0x3FAE] =	sst s1  }
0xa: {  	[smem:$0x3FAF] =	sst s2  }
0xb: {  	[smem:$0x3FB0] =	sst s3  }
0xc: {  	[smem:$0x3FB1] =	sst s4  }
0xd: {  	[smem:$0x3FB2] =	sst s5  }
0xe: {  	[smem:$0x3FB3] =	sst s6  }
0xf: {  	[smem:$0x3FB4] =	sst s7  }
0x10: {  	[smem:$0x3FB5] =	sst s8  }
0x11: {  	[smem:$0x3FB6] =	sst s9;
	s0 =	simm.s32 @!p0 $0x0  }
0x12: {  	s1 =	sld [smem:$0x3F9C];
	s0 =	simm.s32 @p0 $0x1  }
0x13: {  	[smem:$0x3FB7] =	sst s0;
	s0 =	simm.s32 @!p1 $0x0  }
0x14: {  	s2 =	sld [smem:$0x3F9B];
	s0 =	simm.s32 @p1 $0x1  }
0x15: {  	[smem:$0x3FB8] =	sst s0;
	s0 =	simm.s32 @!p2 $0x0  }
0x16: {  	s3 =	sld [smem:$0x3FDB];
	s0 =	simm.s32 @p2 $0x1  }
0x17: {  	s4 =	simm.s32 $0x1BF5;
	[smem:$0x3FBA] =	sst s0  }
0x18: {  	s0 =	sld [smem:$0x3F9D];
	_ =	swait.ge [sflag:s4], $0x0  }
0x19: {  	s7 =	sld [smem:$0x3F9E]  }
0x1a: {  	s8 =	sadd.s32 $0xFFFFE003, lr  }
0x1b: {  	s9 =	sadd.s32 $0xFFFFFEF7, lr;
	s5 =	simm.s32 $0xFFFFFFFF;
	p2 =	slt.u32 s8, $0xFFFFF086  }
0x1c: {  	p1 =	slt.u32 s9, $0xF7A;
	s5 =	simm.s32 @!p2 $0x0  }
0x1d: {  	s5 =	simm.s32 @p1 $0x1;
	p0 =	seq.s32 s7, s2  }
0x1e: {  	s7 =	smul.u32 @!p0 $0xF7A, s2;
	p2 =	seq.s32 @!p0 s5, $0x0  }
0x1f: {  	s9 =	smul.u32 $0xF7A, s1;
	s8 =	simm.s32 @!p0 $0x1BF5;
	p2 =	por !p2, p0  }
0x20: {  	[sflag:s8] =	ssyncset.s32 @!p0 $0xFFFFF086;
	s6 =	sadd.s32 @!p0 s3, s7;
	s7 =	simm.s32 @!p0 $0x108  }
0x21: {  	s3 =	sadd.s32 s3, s9;
	s6 =	sadd.s32 @!p0 $0x88, s6;
	s7 =	simm.s32 @p2 $0x1082  }
0x22: {  	[simem:s7], [sflag:s8] =	dma.local @!p0 [hbm:s6], $0xF7A  }
0x23: {  	s9 =	sor.u32 $0xD0000000, s2;
	s6 =	simm.s32 $0x108;
	_ =	swait.ge @!p0 [sflag:s8], $0x0  }
0x24: {  	s3 =	sadd.s32 $0x88, s3;
	s6 =	simm.s32 @!p1 $0x1082;
	[sflag:s4] =	ssyncset.s32 $0xFFFFF086  }
0x25: {  	[simem:s6], [sflag:s4] =	dma.local [hbm:s3], $0xF7A  }
0x26: {  	[smem:$0x3F9E] =	sst s1;
	(tag) =	ssettag s2;
	_ =	strace s9  }
0x27: {  	s1 =	sld [smem:$0x3FAE]  }
0x28: {  	s2 =	sld [smem:$0x3FAF]  }
0x29: {  	s4 =	sld [smem:$0x3FB1]  }
0x2a: {  	p0 =	seq.s32 s5, $0x0;
	s5 =	sld [smem:$0x3FB2]  }
0x2b: {  	s6 =	sld [smem:$0x3FB3]  }
0x2c: {  	s7 =	sld [smem:$0x3FB4]  }
0x2d: {  	s3 =	simm.s32 $0x108;
	s8 =	sld [smem:$0x3FB5]  }
0x2e: {  	s3 =	simm.s32 @!p0 $0x1082;
	s9 =	sld [smem:$0x3FB6]  }
0x2f: {  	lr =	sadd.s32 s0, s3;
	s0 =	sld [smem:$0x3FAD]  }
0x30: {  	s3 =	sld [smem:$0x3FB0]  }
0x31: {  	[smem:$0x3FB9] =	sst s10  }
0x32: {  	s10 =	sld [smem:$0x3FB7];
	_ =	sdelay $0x3  }
0x33: {  	p0 =	seq.s32 s10, $0x1;
	s10 =	sld [smem:$0x3FB9];
	_ =	sdelay $0x3  }
0x34: {  	[smem:$0x3FB9] =	sst s10  }
0x35: {  	s10 =	sld [smem:$0x3FB8];
	_ =	sdelay $0x3  }
0x36: {  	p1 =	seq.s32 s10, $0x1;
	s10 =	sld [smem:$0x3FB9];
	_ =	sdelay $0x3  }
0x37: {  	[smem:$0x3FB9] =	sst s10  }
0x38: {  	s10 =	sld [smem:$0x3FBA]  }
0x39: {  	_ = 	snop;
	(pc) =	sbr.ind lr, $3  }
0x3a: {  	_ = 	snop  }
0x3b: {  	_ = 	snop  }
0x3c: {  	p2 =	seq.s32 s10, $0x1;
	s10 =	sld [smem:$0x3FB9]  }
0x3d: {  	_ =	shalt  }
0x3e: {  	_ =	shalt  }
0x3f: {  	_ =	shalt  }
0x40: {  	_ =	shalt  }
0x41: {  	_ =	shalt  }
0x42: {  	_ =	shalt  }
0x43: {  	_ =	shalt  }
0x44: {  	_ =	shalt  }
0x45: {  	_ =	shalt  }
0x46: {  	_ =	shalt  }
0x47: {  	_ =	shalt  }
0x48: {  	_ =	shalt  }
0x49: {  	_ =	shalt  }
0x4a: {  	_ =	shalt  }
0x4b: {  	_ =	shalt  }
0x4c: {  	_ =	shalt  }
0x4d: {  	_ =	shalt  }
0x4e: {  	_ =	shalt  }
0x4f: {  	_ =	shalt  }
0x50: {  	_ =	shalt  }
0x51: {  	_ =	shalt  }
0x52: {  	_ =	shalt  }
0x53: {  	_ =	shalt  }
0x54: {  	_ =	shalt  }
0x55: {  	_ =	shalt  }
0x56: {  	_ =	shalt  }
0x57: {  	_ =	shalt  }
0x58: {  	_ =	shalt  }
0x59: {  	_ =	shalt  }
0x5a: {  	_ =	shalt  }
0x5b: {  	_ =	shalt  }
0x5c: {  	_ =	shalt  }
0x5d: {  	_ =	shalt  }
0x5e: {  	_ =	shalt  }
0x5f: {  	_ =	shalt  }
0x60: {  	_ =	shalt  }
0x61: {  	_ =	shalt  }
0x62: {  	_ =	shalt  }
0x63: {  	_ =	shalt  }
0x64: {  	_ =	shalt  }
0x65: {  	_ =	shalt  }
0x66: {  	_ =	shalt  }
0x67: {  	_ =	shalt  }
0x68: {  	_ =	shalt  }
0x69: {  	_ =	shalt  }
0x6a: {  	_ =	shalt  }
0x6b: {  	_ =	shalt  }
0x6c: {  	_ =	shalt  }
0x6d: {  	_ =	shalt  }
0x6e: {  	_ =	shalt  }
0x6f: {  	_ =	shalt  }
0x70: {  	_ =	shalt  }
0x71: {  	_ =	shalt  }
0x72: {  	_ =	shalt  }
0x73: {  	_ =	shalt  }
0x74: {  	_ =	shalt  }
0x75: {  	_ =	shalt  }
0x76: {  	_ =	shalt  }
0x77: {  	_ =	shalt  }
0x78: {  	_ =	shalt  }
0x79: {  	_ =	shalt  }
0x7a: {  	_ =	shalt  }
0x7b: {  	_ =	shalt  }
0x7c: {  	_ =	shalt  }
0x7d: {  	_ =	shalt  }
0x7e: {  	_ =	shalt  }
0x7f: {  	_ =	shalt  }
0x80: {  	_ =	shalt  }
0x81: {  	_ =	shalt  }
0x82: {  	_ =	shalt  }
0x83: {  	_ =	shalt  }
0x84: {  	_ =	shalt  }
0x85: {  	_ =	shalt  }
0x86: {  	_ =	shalt  }
0x87: {  	_ =	shalt  }
.Lfunc_end0:
.L_simem_size_0:
called_computation_lowered:
.L_overlay_start_0:
0x88: {  	s2 =	sld [smem:$0x3FD9]  }
0x89: {  	s3 =	sld [smem:$0x3FFE];
	_ =	sdelay $0x1  }
0x8a: {  	s1 =	srdreg.scid  }
0x8b: {  	s0 =	sand.u32 $0x1, s1  }
0x8c: {  	s17 =	sshll.u32 s0, $0xA;
	s2 =	sadd.s32 s3, s2  }
0x8d: {  	s2 =	sadd.s32 s2, s17  }
0x8e: {  	[smem:$0x3FC5] =	sst s2  }
0x8f: {  	_ = 	snop  }
0x90: {  	s2 =	sld [smem:$0x3FD0];
	(tm) =	ssettm $0x1  }
0x91: {  	s18 =	sld [smem:$0x3FFB];
	_ =	sdelay $0x3  }
0x92: {  	_ =	strace s18  }
0x93: {  	s3 =	sld [smem:$0x3FFC];
	_ =	sdelay $0x3  }
0x94: {  	_ =	strace s3  }
0x95: {  	s3 =	sld [smem:$0x3FFD];
	_ =	sdelay $0x3  }
0x96: {  	_ =	strace s3  }
0x97: {  	_ =	strace $0x8FFFFFFF  }
0x98: {  	s19 =	sld [smem:$0x3FDB];
	_ =	sdelay $0x1  }
0x99: {  	s4 =	simm.s32 $_scs_section_size  }
0x9a: {  	s5 =	simm.s32 $_size__tile_overlayer_lowered;
	s6 =	simm.s32 $_tile_overlayer_lowered  }
0x9b: {  	s22 =	simm.s32 $0x1BFF;
	s21 =	sshll.u32 s6, $0x1;
	s3 =	sadd.s32 s4, s19  }
0x9c: {  	s7 =	simm.s32 $0x0;
	s20 =	sshll.u32 s5, $0x1;
	s5 =	sadd.s32 s21, s3  }
0x9d: {  	[timem:s7], [sflag:s22] =	dma.local [hbm:s5], s20  }
0x9e: {  	_ =	swait.ge [sflag:s22], s20  }
0x9f: {  	s4 =	ssub.s32 $0x0, s20;
	[sflag:s22] =	ssyncset.done $0x0  }
0xa0: {  	[sflag:s22] =	ssyncadd.s32 s4;
	_ =	sdelay $0x1  }
0xa1: {  	s23 =	simm.s32 $0x1B8B  }
0xa2: {  	_ =	swait.ge [sflag:s23], $0x1  }
0xa3: {  	[sflag:s23] =	ssyncset.done $0x0  }
0xa4: {  	s25 =	simm.s32 $0x1B8E;
	s24 =	sld [smem:$0x3FFE];
	[sflag:s23] =	ssyncadd.s32 $0xFFFFFFFF  }
0xa5: {  	s26 =	simm.s32 $execute0_lowered;
	[smem:$0x3FD2] =	sst s25  }
0xa6: {  	s5 =	sshll.u32 s26, $0x1;
	_ =	strace $0x80000046;
	[dreg:$0x1] =	wrdreg $0xFFFFFFFF  }
0xa7: {  	s28 =	simm.s32 $_size_execute0_lowered;
	s3 =	sadd.s32 s3, s5;
	[dreg:$0x0] =	wrdreg $0x0  }
0xa8: {  	s5 =	sshll.u32 s28, $0x1;
	[dreg:$0x2] =	wrdreg s3  }
0xa9: {  	[dreg:$0x3] =	wrdreg s5  }
0xaa: {  	[dreg:$0x4] =	wrdreg $0xC0  }
0xab: {  	_ =	task [dreg:s7], $0x5FFFF  }
0xac: {  	[dreg:$0x1] =	wrdreg $0xFFFFFFFF  }
0xad: {  	[dreg:$0x0] =	wrdreg $0x60  }
0xae: {  	[dreg:$0x2] =	wrdreg s24  }
0xaf: {  	[dreg:$0x3] =	wrdreg s2  }
0xb0: {  	[dreg:$0x4] =	wrdreg $0x9  }
0xb1: {  	_ =	task.clear_ibuf [dreg:s7], $0x5FFFF;
	_ =	strace $0x90000046  }
0xb2: {  	s29 =	simm.s32 $0x9;
	_ =	strace $0x80000048  }
0xb3: {  	_ =	swait.ge [sflag:s29], $0x1  }
0xb4: {  	[sflag:s29] =	ssyncadd.s32 $0xFFFFFFFF  }
0xb5: {  	_ =	strace $0x90000048  }
0xb6: {  	_ =	sfence  }
0xb7: {  	s30 =	sld [smem:$0x0];
	_ =	sdelay $0x2  }
0xb8: {  	s31 =	sshll.u32 s1, $0xD;
	s1 =	sshrl.u32 s1, $0x2  }
0xb9: {  	s3 =	sand.u32 $0x4000, s31;
	s1 =	sadd.s32 s1, s30  }
0xba: {  	s0 =	sor.u32 s3, s0;
	s1 =	sshll.u32 s1, $0x11  }
0xbb: {  	s0 =	sor.u32 s1, s0  }
0xbc: {  	s0 =	sadd.s32 $0x8F2B, s0  }
0xbd: {  	[sflag:s0] =	ssyncadd.remote.s32 $0x1  }
0xbe: {  	_ =	sfence.sel $0xFFFF  }
0xbf: {  	[dreg:$0x0] =	wrdreg $0xFFFFFFFF;
	(pc) =	sbr.abs _section_cstart, $3  }
0xc0: {  	[dreg:$0x1] =	wrdreg $0xFFFFFFFF  }
0xc1: {  	_ =	task.clear_ibuf [dreg:s7], $0x2FFFF;
	_ =	strace $0x9FFFFFFF  }
0xc2: {  	(tm) =	ssettm $0x7FFFFFFF  }
0xc3: {  	_ =	shalt  }
tec
execute0_lowered:
.L_overlay_start_1:
0x0: {  	(tag) =	ssettag $0x1  }
0x1: {  	s5 =	rddreg [dreg:$0x0]  }
0x2: {  	s0 =	stileid.u32;
	s2 =	rddreg [dreg:$0x1];
	s3 =	simm.s32 $0x0  }
0x3: {  	s7 =	srdreg.scid;
	s12 =	simm.s32 $0x7600;
	s13 =	simm.s32 $0x7E00  }
0x4: {  	s14 =	simm.s32 $0x8600;
	s15 =	simm.s32 $0x8E00;
	s16 =	simm.s32 $0x9600  }
0x5: {  	s17 =	simm.s32 $0x9E00;
	s18 =	simm.s32 $0xA600;
	s19 =	simm.s32 $0xBE00  }
0x6: {  	s20 =	simm.s32 $0x0;
	s6 =	sshrl.u32 s0, $0x2;
	[smem:$0x7FF] =	sst s3  }
0x7: {  	s7 =	sand.u32 $0x1, s7;
	s9 =	sshll.u32 s0, $0x1;
	s4 =	smul.u32 $0xEB8, s6  }
0x8: {  	v0 =	vlaneseq.u32;
	_ =	strace $0x80000047;
	s10 =	ssub.s32 $0x2, s7;
	s9 =	sand.u32 $0x6, s9  }
0x9: {  	v0 =	vmul.u32 $0x3, v0;
	s6 =	smul.u32 $0x180000, s6;
	s11 =	sshrl.u32 s10, $0x1;
	s7 =	sor.u32 s7, s9  }
0xa: {  	s8 =	sadd.s32 s4, s5;
	s4 =	sadd.s32 $0x800, s5;
	s5 =	sadd.s32 $0x18800, s5  }
0xb: {  	v1 =	vadd.s32 $0x1, v0;
	v2 =	vadd.s32 $0x2, v0;
	s10 =	ssub.s32 s10, s11;
	s7 =	sshll.u32 s7, $0xF;
	s9 =	sadd.s32 $0xC0000, s6  }
0xc: {  	v3 =	vor.u32 $0x1800, v0;
	v4 =	vadd.s32 $0x1801, v0;
	v5 =	vadd.s32 $0x1802, v0;
	s11 =	simm.s32 $0x1;
	s8 =	sadd.s32 $0x30800, s8;
	s10 =	smax.u32 s10, $0x1  }
.LBB2_1:
0xd: {  	[tilespmem:s3], [sflag:$0x1] =	stream.linear.gather [hbm4b:s8+s3], $0x75C0, $0x38;
	[tilespmem:$0xD600] =	vst v63  }
0xe: {  	_ =	swait.ge [sflag:s11], $0x75C0  }
0xf: {  	[sflag:s11] =	ssyncset.done $0x0  }
0x10: {  	s21 =	simm.s32 $0x0;
	[sflag:s11] =	ssyncadd.s32 $0xFFFF8A40  }
.LBB2_2:
0x11: {  	s22 =	sshll.u32 s21, $0xB  }
0x12: {  	s22 =	sadd.s32 s7, s22  }
0x13: {  	s23 =	sshrl.u32 s22, $0x3  }
0x14: {  	s24 =	sadd.s32 s4, s23  }
0x15: {  	[tilespmem:s12], [sflag:$0x1] =	stream.linear.gather [hbm4b:s24+s3], $0x800, $0x38;
	[tilespmem:$0xD600] =	vst v63  }
0x16: {  	_ =	swait.ge [sflag:s11], $0x800  }
0x17: {  	s24 =	sor.u32 $0x8000, s23;
	[sflag:s11] =	ssyncset.done $0x0  }
0x18: {  	s25 =	sadd.s32 s4, s24;
	[sflag:s11] =	ssyncadd.s32 $0xFFFFF800  }
0x19: {  	[tilespmem:s13], [sflag:$0x1] =	stream.linear.gather [hbm4b:s25+s3], $0x800, $0x38;
	[tilespmem:$0xD600] =	vst v63  }
0x1a: {  	_ =	swait.ge [sflag:s11], $0x800  }
0x1b: {  	s1 =	sor.u32 $0x10000, s23;
	[sflag:s11] =	ssyncset.done $0x0  }
0x1c: {  	s26 =	sadd.s32 s4, s1;
	[sflag:s11] =	ssyncadd.s32 $0xFFFFF800  }
0x1d: {  	[tilespmem:s14], [sflag:$0x1] =	stream.linear.gather [hbm4b:s26+s3], $0x800, $0x38;
	[tilespmem:$0xD600] =	vst v63  }
0x1e: {  	_ =	swait.ge [sflag:s11], $0x800  }
0x1f: {  	[sflag:s11] =	ssyncset.done $0x0  }
0x20: {  	s23 =	sadd.s32 s5, s23;
	[sflag:s11] =	ssyncadd.s32 $0xFFFFF800  }
0x21: {  	[tilespmem:s15], [sflag:$0x1] =	stream.linear.gather [hbm4b:s23+s3], $0x800, $0x38;
	[tilespmem:$0xD600] =	vst v63  }
0x22: {  	_ =	swait.ge [sflag:s11], $0x800  }
0x23: {  	[sflag:s11] =	ssyncset.done $0x0  }
0x24: {  	s24 =	sadd.s32 s5, s24;
	[sflag:s11] =	ssyncadd.s32 $0xFFFFF800  }
0x25: {  	[tilespmem:s16], [sflag:$0x1] =	stream.linear.gather [hbm4b:s24+s3], $0x800, $0x38;
	[tilespmem:$0xD600] =	vst v63  }
0x26: {  	_ =	swait.ge [sflag:s11], $0x800  }
0x27: {  	s28 =	simm.s32 $0x9610;
	[sflag:s11] =	ssyncset.done $0x0  }
0x28: {  	s29 =	simm.s32 $0x8610;
	s26 =	sadd.s32 s5, s1;
	[sflag:s11] =	ssyncadd.s32 $0xFFFFF800  }
0x29: {  	[tilespmem:s17], [sflag:$0x1] =	stream.linear.gather [hbm4b:s26+s3], $0x800, $0x38;
	[tilespmem:$0xD600] =	vst v63  }
0x2a: {  	s30 =	simm.s32 $0x9E10;
	s31 =	simm.s32 $0x30;
	_ =	swait.ge [sflag:s11], $0x800  }
0x2b: {  	s25 =	simm.s32 $0x8E10;
	s23 =	simm.s32 $0xFFFFFFFE;
	[sflag:s11] =	ssyncset.done $0x0  }
0x2c: {  	s24 =	simm.s32 $0x7610;
	s26 =	simm.s32 $0x7E10;
	[sflag:s11] =	ssyncadd.s32 $0xFFFFF800  }
.LBB2_3:
0x2d: {  	v6 =	vld [tilespmem:s24+$0xFFFFFFF0]  }
0x2e: {  	v8 =	vld [tilespmem:s26+$0xFFFFFFF0]  }
0x2f: {  	v48 =	vld [tilespmem:s29+$0xFFFFFFF0];
	_ =	sdelay $0x2  }
0x30: {  	v7 =	vmul.u32 $0x3, v6  }
0x31: {  	vm0 =	veq.s32 v6, $0x249A1;
	v14 =	vmul.u32 $0x3, v8  }
0x32: {  	vm11 =	veq.s32 v8, $0x249A1;
	v21 =	vmul.u32 $0x3, v48;
	v6 =	vsel vm0, $0x0, v7  }
0x33: {  	vm12 =	veq.s32 v48, $0x249A1;
	v8 =	vsel vm11, $0x0, v14  }
0x34: {  	v10 =	vld [tilespmem:s25+$0xFFFFFFF0];
	v50 =	vsel vm12, $0x0, v21  }
0x35: {  	v18 =	vld [tilespmem:s28+$0xFFFFFFF0];
	v7 =	vadd.s32 $0x1, v6  }
0x36: {  	v24 =	vld [tilespmem:s30+$0xFFFFFFF0];
	v9 =	vadd.s32 $0x2, v6  }
0x37: {  	v11 =	vadd.s32 $0x3AE0, v6;
	v12 =	vld.idx.msk [tilespmem:v6+s3+$0x0], $0xffff  }
0x38: {  	v13 =	vadd.s32 $0x3AE1, v6;
	v20 =	vld.idx.msk [tilespmem:v8+s3+$0x0], $0xffff  }
0x39: {  	v15 =	vadd.s32 $0x1, v8;
	v26 =	vld.idx.msk [tilespmem:v50+s3+$0x0], $0xffff  }
0x3a: {  	v16 =	vadd.s32 $0x2, v8;
	v7 =	vld.idx.msk [tilespmem:v7+s3+$0x0], $0xffff  }
0x3b: {  	v17 =	vadd.s32 $0x3AE0, v8;
	v9 =	vld.idx.msk [tilespmem:v9+s3+$0x0], $0xffff  }
0x3c: {  	v19 =	vadd.s32 $0x3AE1, v8;
	v11 =	vld.idx.msk [tilespmem:v11+s3+$0x0], $0xffff  }
0x3d: {  	v21 =	vadd.s32 $0x1, v50;
	v13 =	vld.idx.msk [tilespmem:v13+s3+$0x0], $0xffff  }
0x3e: {  	v22 =	vadd.s32 $0x2, v50;
	v15 =	vld.idx.msk [tilespmem:v15+s3+$0x0], $0xffff  }
0x3f: {  	v23 =	vadd.s32 $0x3AE0, v50;
	v49 =	vld.idx.msk [tilespmem:v16+s3+$0x0], $0xffff  }
0x40: {  	v25 =	vadd.s32 $0x3AE1, v50;
	v17 =	vld.idx.msk [tilespmem:v17+s3+$0x0], $0xffff  }
0x41: {  	v6 =	vadd.s32 $0x3AE2, v6;
	v19 =	vld.idx.msk [tilespmem:v19+s3+$0x0], $0xffff  }
0x42: {  	v8 =	vadd.s32 $0x3AE2, v8;
	v21 =	vld.idx.msk [tilespmem:v21+s3+$0x0], $0xffff  }
0x43: {  	s1 =	sadd.s32 $0xFFFFFFD0, s31;
	v16 =	vadd.s32 $0x3AE2, v50;
	v53 =	vld.idx.msk [tilespmem:v22+s3+$0x0], $0xffff;
	v12 =	vmul.f32 v12, v10;
	v20 =	vmul.f32 v20, v18  }
0x44: {  	v57 =	vadd.s32 s1, v0;
	v55 =	vld.idx.msk [tilespmem:v23+s3+$0x0], $0xffff;
	v58 =	vmul.f32 v26, v24;
	v7 =	vmul.f32 v7, v10  }
0x45: {  	v59 =	vadd.s32 s1, v1;
	v56 =	vld.idx.msk [tilespmem:v25+s3+$0x0], $0xffff;
	v9 =	vmul.f32 v9, v10;
	v11 =	vmul.f32 v11, v10  }
0x46: {  	v61 =	vadd.s32 s1, v2;
	v6 =	vld.idx.msk [tilespmem:v6+s3+$0x0], $0xffff;
	v13 =	vmul.f32 v13, v10;
	v15 =	vmul.f32 v15, v18  }
0x47: {  	v63 =	vadd.s32 s1, v3;
	v8 =	vld.idx.msk [tilespmem:v8+s3+$0x0], $0xffff;
	v14 =	vmul.f32 v49, v18;
	v52 =	vmul.f32 v17, v18  }
0x48: {  	v22 =	vadd.s32 s1, v4;
	v54 =	vmul.f32 v19, v18;
	v16 =	vld.idx.msk [tilespmem:v16+s3+$0x0], $0xffff;
	v60 =	vmul.f32 v21, v24  }
0x49: {  	v62 =	vmul.f32 v53, v24;
	v21 =	vmul.f32 v55, v24;
	v51 =	vadd.f32 v20, v12  }
0x4a: {  	v12 =	vmul.f32 v56, v24;
	v7 =	vadd.f32 v15, v7;
	v9 =	vadd.f32 v14, v9  }
0x4b: {  	v11 =	vadd.f32 v52, v11;
	v6 =	vmul.f32 v6, v10;
	v10 =	vadd.f32 v58, v51  }
0x4c: {  	v13 =	vadd.f32 v54, v13;
	v8 =	vmul.f32 v8, v18;
	v7 =	vadd.f32 v60, v7  }
0x4d: {  	v23 =	vadd.s32 s1, v5;
	v9 =	vadd.f32 v62, v9;
	v25 =	vmul.f32 v16, v24;
	[tilespmem:v57+s18+$0x0] =	vst.idx.msk $0xffff, v10  }
0x4e: {  	v6 =	vadd.f32 v8, v6;
	v8 =	vadd.f32 v21, v11;
	[tilespmem:v59+s18+$0x0] =	vst.idx.msk $0xffff, v7  }
0x4f: {  	v7 =	vadd.f32 v12, v13;
	[tilespmem:v61+s18+$0x0] =	vst.idx.msk $0xffff, v9  }
0x50: {  	v6 =	vadd.f32 v25, v6;
	[tilespmem:v63+s18+$0x0] =	vst.idx.msk $0xffff, v8  }
0x51: {  	[tilespmem:v22+s18+$0x0] =	vst.idx.msk $0xffff, v7  }
0x52: {  	[tilespmem:v23+s18+$0x0] =	vst.idx.msk $0xffff, v6  }
0x53: {  	v6 =	vld [tilespmem:s24+$0x0]  }
0x54: {  	v8 =	vld [tilespmem:s26+$0x0]  }
0x55: {  	v31 =	vld [tilespmem:s29+$0x0];
	_ =	sdelay $0x2  }
0x56: {  	v7 =	vmul.u32 $0x3, v6  }
0x57: {  	vm13 =	veq.s32 v6, $0x249A1;
	v30 =	vmul.u32 $0x3, v8  }
0x58: {  	vm14 =	veq.s32 v8, $0x249A1;
	v36 =	vmul.u32 $0x3, v31;
	v6 =	vsel vm13, $0x0, v7  }
0x59: {  	vm15 =	veq.s32 v31, $0x249A1;
	v14 =	vsel vm14, $0x0, v30  }
0x5a: {  	v10 =	vld [tilespmem:s25+$0x0];
	v39 =	vsel vm15, $0x0, v36  }
0x5b: {  	v18 =	vld [tilespmem:s28+$0x0];
	v7 =	vadd.s32 $0x1, v6  }
0x5c: {  	v41 =	vld [tilespmem:s30+$0x0];
	v26 =	vadd.s32 $0x2, v6  }
0x5d: {  	v27 =	vadd.s32 $0x3AE0, v6;
	v28 =	vld.idx.msk [tilespmem:v6+s3+$0x0], $0xffff  }
0x5e: {  	v29 =	vadd.s32 $0x3AE1, v6;
	v37 =	vld.idx.msk [tilespmem:v14+s3+$0x0], $0xffff  }
0x5f: {  	v32 =	vadd.s32 $0x1, v14;
	v43 =	vld.idx.msk [tilespmem:v39+s3+$0x0], $0xffff  }
0x60: {  	v33 =	vadd.s32 $0x2, v14;
	v7 =	vld.idx.msk [tilespmem:v7+s3+$0x0], $0xffff  }
0x61: {  	v34 =	vadd.s32 $0x3AE0, v14;
	v9 =	vld.idx.msk [tilespmem:v26+s3+$0x0], $0xffff  }
0x62: {  	v35 =	vadd.s32 $0x3AE1, v14;
	v11 =	vld.idx.msk [tilespmem:v27+s3+$0x0], $0xffff  }
0x63: {  	v20 =	vadd.s32 $0x1, v39;
	v13 =	vld.idx.msk [tilespmem:v29+s3+$0x0], $0xffff  }
0x64: {  	v42 =	vadd.s32 $0x3AE0, v39;
	v38 =	vld.idx.msk [tilespmem:v32+s3+$0x0], $0xffff  }
0x65: {  	v44 =	vadd.s32 $0x3AE1, v39;
	v16 =	vld.idx.msk [tilespmem:v33+s3+$0x0], $0xffff  }
0x66: {  	v6 =	vadd.s32 $0x3AE2, v6;
	v17 =	vld.idx.msk [tilespmem:v34+s3+$0x0], $0xffff  }
0x67: {  	v40 =	vadd.s32 $0x2, v39;
	v19 =	vld.idx.msk [tilespmem:v35+s3+$0x0], $0xffff  }
0x68: {  	v14 =	vadd.s32 $0x3AE2, v14;
	v20 =	vld.idx.msk [tilespmem:v20+s3+$0x0], $0xffff  }
0x69: {  	v50 =	vadd.s32 s31, v0;
	v49 =	vld.idx.msk [tilespmem:v42+s3+$0x0], $0xffff;
	v12 =	vmul.f32 v28, v10  }
0x6a: {  	v15 =	vadd.s32 $0x3AE2, v39;
	v52 =	vld.idx.msk [tilespmem:v44+s3+$0x0], $0xffff;
	v21 =	vmul.f32 v37, v18;
	v51 =	vmul.f32 v43, v41  }
0x6b: {  	v53 =	vadd.s32 s31, v1;
	v6 =	vld.idx.msk [tilespmem:v6+s3+$0x0], $0xffff;
	v7 =	vmul.f32 v7, v10;
	v9 =	vmul.f32 v9, v10  }
0x6c: {  	v55 =	vadd.s32 s31, v2;
	v46 =	vld.idx.msk [tilespmem:v40+s3+$0x0], $0xffff;
	v8 =	vmul.f32 v38, v18;
	v11 =	vmul.f32 v11, v10  }
0x6d: {  	v56 =	vadd.s32 s31, v3;
	v14 =	vld.idx.msk [tilespmem:v14+s3+$0x0], $0xffff;
	v13 =	vmul.f32 v13, v10;
	v47 =	vmul.f32 v16, v18  }
0x6e: {  	v48 =	vmul.f32 v17, v18;
	v19 =	vmul.f32 v19, v18;
	v45 =	vadd.f32 v21, v12  }
0x6f: {  	v15 =	vld.idx.msk [tilespmem:v15+s3+$0x0], $0xffff;
	v54 =	vmul.f32 v20, v41;
	v58 =	vmul.f32 v49, v41;
	v7 =	vadd.f32 v8, v7  }
0x70: {  	v60 =	vmul.f32 v52, v41;
	v6 =	vmul.f32 v6, v10;
	v10 =	vadd.f32 v51, v45  }
0x71: {  	v9 =	vadd.f32 v47, v9;
	v8 =	vmul.f32 v46, v41;
	v7 =	vadd.f32 v54, v7  }
0x72: {  	s23 =	sadd.s32 $0x2, s23;
	v59 =	vadd.s32 s31, v4;
	v11 =	vadd.f32 v48, v11;
	v57 =	vmul.f32 v14, v18;
	[tilespmem:v50+s18+$0x0] =	vst.idx.msk $0xffff, v10  }
0x73: {  	p0 =	slt.u32 s23, $0x7E;
	v61 =	vadd.s32 s31, v5;
	v13 =	vadd.f32 v19, v13;
	[tilespmem:v53+s18+$0x0] =	vst.idx.msk $0xffff, v7;
	v7 =	vadd.f32 v8, v9  }
.Ltmp0:
0x74: {  	v63 =	vmul.f32 v15, v41;
	v62 =	vadd.f32 v58, v11;
	v6 =	vadd.f32 v57, v6;
	(pc) =	sbr.rel @p0 .LBB2_3-.Ltmp0, $4  }
0x75: {  	v8 =	vadd.f32 v60, v13;
	[tilespmem:v55+s18+$0x0] =	vst.idx.msk $0xffff, v7  }
0x76: {  	s31 =	sadd.s32 $0x60, s31;
	v6 =	vadd.f32 v63, v6;
	[tilespmem:v56+s18+$0x0] =	vst.idx.msk $0xffff, v62  }
0x77: {  	s24 =	sadd.s32 $0x20, s24;
	s25 =	sadd.s32 $0x20, s25;
	s26 =	sadd.s32 $0x20, s26;
	[tilespmem:v59+s18+$0x0] =	vst.idx.msk $0xffff, v8  }
0x78: {  	s28 =	sadd.s32 $0x20, s28;
	s29 =	sadd.s32 $0x20, s29;
	s30 =	sadd.s32 $0x20, s30;
	[tilespmem:v61+s18+$0x0] =	vst.idx.msk $0xffff, v6  }
0x79: {  	s1 =	smul.u32 $0x3, s22;
	_ =	sdelay $0x1  }
0x7a: {  	s22 =	sadd.s32 s6, s1  }
0x7b: {  	s22 =	sshrl.u32 s22, $0x3  }
0x7c: {  	s22 =	sadd.s32 s2, s22  }
0x7d: {  	[hbm4b:s22+s3] =	stream.linear.scatter [tilespmem:s18], [sflag:$0x1], $0x1800, $0x38;
	[tilespmem:$0xD600] =	vst v63  }
0x7e: {  	s21 =	sadd.s32 $0x1, s21;
	s1 =	sadd.s32 s9, s1;
	_ =	swait.ge [sflag:s11], $0x1800  }
0x7f: {  	p0 =	sne.s32 s21, $0x10;
	s1 =	sshrl.u32 s1, $0x3;
	[sflag:s11] =	ssyncset.done $0x0  }
.Ltmp1:
0x80: {  	s1 =	sadd.s32 s2, s1;
	[sflag:s11] =	ssyncadd.s32 $0xFFFFE800;
	(pc) =	sbr.rel @p0 .LBB2_2-.Ltmp1, $4  }
0x81: {  	[hbm4b:s1+s3] =	stream.linear.scatter [tilespmem:s19], [sflag:$0x1], $0x1800, $0x38;
	[tilespmem:$0xD600] =	vst v63  }
0x82: {  	_ =	swait.ge [sflag:s11], $0x1800  }
0x83: {  	[sflag:s11] =	ssyncset.done $0x0  }
0x84: {  	[sflag:s11] =	ssyncadd.s32 $0xFFFFE800  }
0x85: {  	s20 =	sadd.s32 $0x1, s20  }
0x86: {  	p0 =	sne.s32 s20, s10  }
.Ltmp2:
0x87: {  	_ = 	snop;
	(pc) =	sbr.rel @p0 .LBB2_1-.Ltmp2, $1  }
0x88: {  	_ =	sdelay $0x3  }
0x89: {  	_ =	sfence.sel $0x180000  }
0x8a: {  	[bflag:$0x0] =	sbarrier.arrive $0xFFFF  }
0x8b: {  	_ =	strace $0x90000047  }
0x8c: {  	[bflag:$0x2] =	sbarrier.arrive $0xFFFF  }
0x8d: {  	p0 =	sne.s32 s0, $0x0;
	s0 =	rddreg [dreg:$0x2]  }
0x8e: {  	s0 =	sadd.s32 @!p0 $0x100000, s0  }
0x8f: {  	[sflag:s0] =	ssyncadd.tile.s32 @!p0 $0x1;
	_ =	shalt  }
.Lfunc_end2:
_tile_overlayer_lowered:
.L_overlay_start_2:
0x90: {  	(tag) =	ssettag $0x2  }
0x91: {  	s0 =	rddreg [dreg:$0x0];
	s2 =	stileid.u32  }
0x92: {  	s1 =	rddreg [dreg:$0x1];
	p0 =	sne.s32 s2, $0x0  }
0x93: {  	s3 =	rddreg [dreg:$0x2];
	[bflag:$0x3] =	sbarrier.arrive $0xFFFF;
	s2 =	simm.s32 @!p0 $0x1C01  }
0x94: {  	[timem:s3], [sflag:s2] =	dma.local @!p0 [hbm:s0], s1  }
0x95: {  	s0 =	simm.s32 @!p0 $0x1  }
0x96: {  	_ =	swait.ge @!p0 [sflag:s0], s1  }
0x97: {  	s1 =	ssub.s32 @!p0 $0x0, s1;
	[sflag:s0] =	ssyncset.done @!p0 $0x0  }
0x98: {  	[sflag:s0] =	ssyncadd.s32 @!p0 s1  }
0x99: {  	[bflag:$0x3] =	sbarrier.arrive $0xFFFF  }
0x9a: {  	_ =	shalt  }

</sc_bundles>
